<compile_context>
chip_gen: v7x
topology: tpu7x:2x2x1
jax: 0.10.2.dev20260603
libtpu: 0.0.44.dev20260713+nightly
codegen_flags: <defaults>
</compile_context>

<pallas_src>
import functools

import jax
import jax.numpy as jnp
from jax import lax
from jax.experimental import pallas as pl
from jax.experimental.pallas import tpu as pltpu
from jax.experimental.pallas import tpu_sc as plsc

TOKENS = 8192
D_MODEL = 1024
N_EXPERTS = 16
NW = 32
NCH = D_MODEL // 16

T_SC = 512
T_TC = TOKENS - T_SC
BT = 1920


def _sc_gate(t0, n_tok):
    tpw = n_tok // NW
    cht = min(32, tpw)
    ngrp = cht // 16
    nst = tpw // cht
    mesh = plsc.VectorSubcoreMesh(core_axis_name="c", subcore_axis_name="s")

    @functools.partial(
        pl.kernel,
        out_type=jax.ShapeDtypeStruct((n_tok, N_EXPERTS), jnp.float32),
        mesh=mesh,
        compiler_params=pltpu.CompilerParams(needs_layout_passes=False),
        scratch_types=[
            pltpu.MemorySpace.VMEM((cht, D_MODEL), jnp.float32),
            pltpu.MemorySpace.VMEM((N_EXPERTS, D_MODEL), jnp.float32),
            pltpu.MemorySpace.VMEM((cht, N_EXPERTS), jnp.float32),
            pltpu.MemorySpace.VMEM((16, 16), jnp.float32),
            pltpu.MemorySpace.VMEM((16, 16), jnp.float32),
        ],
    )
    def body(x_hbm, wt_hbm, o_hbm, xv, wtv, ov, prv, egv):
        wid = lax.axis_index("s") * 2 + lax.axis_index("c")
        pltpu.sync_copy(wt_hbm, wtv)
        lane = lax.iota(jnp.int32, 16)

        def stage(st, _):
            off = wid * tpw + st * cht
            pltpu.sync_copy(x_hbm.at[pl.ds(t0 + off, cht), :], xv)

            def group(g, _):
                def tok(tl, _):
                    t = g * 16 + tl

                    def chunk(c, accs):
                        xc = xv[t, pl.ds(c * 16, 16)]
                        return tuple(
                            accs[e] + xc * wtv[e, pl.ds(c * 16, 16)]
                            for e in range(N_EXPERTS)
                        )

                    accs = lax.fori_loop(
                        0, NCH, chunk,
                        tuple(jnp.zeros((16,), jnp.float32)
                              for _ in range(N_EXPERTS)),
                    )
                    for e in range(N_EXPERTS):
                        prv[e] = accs[e]
                    logits = plsc.load_gather(
                        prv, [lane, jnp.full((16,), 0, jnp.int32)])
                    for l in range(1, 16):
                        logits = logits + plsc.load_gather(
                            prv, [lane, jnp.full((16,), l, jnp.int32)])
                    egv[tl] = jnp.exp(logits)
                    return 0

                lax.fori_loop(0, 16, tok, 0)
                cols = [
                    plsc.load_gather(egv, [lane, jnp.full((16,), e, jnp.int32)])
                    for e in range(N_EXPERTS)
                ]
                s = cols[0]
                for e in range(1, N_EXPERTS):
                    s = s + cols[e]
                r = 1.0 / s
                for e in range(N_EXPERTS):
                    plsc.store_scatter(
                        ov,
                        [g * 16 + lane, jnp.full((16,), e, jnp.int32)],
                        cols[e] * r,
                    )
                return 0

            lax.fori_loop(0, ngrp, group, 0)
            pltpu.sync_copy(ov, o_hbm.at[pl.ds(off, cht), :])
            return 0

        lax.fori_loop(0, nst, stage, 0)

    return body


def _tc_block(x_ref, w_ref, o_ref):
    xb = x_ref[...].astype(jnp.bfloat16)
    wb = w_ref[...].astype(jnp.bfloat16)
    logits = jnp.dot(xb, wb, preferred_element_type=jnp.float32)
    m = jnp.max(logits, axis=-1, keepdims=True)
    e = jnp.exp(logits - m)
    o_ref[...] = e / jnp.sum(e, axis=-1, keepdims=True)


def _tc_gate(x, W):
    return pl.pallas_call(
        _tc_block,
        grid=(T_TC // BT,),
        in_specs=[
            pl.BlockSpec((BT, D_MODEL), lambda i: (i, 0)),
            pl.BlockSpec((D_MODEL, N_EXPERTS), lambda i: (0, 0)),
        ],
        out_specs=pl.BlockSpec((BT, N_EXPERTS), lambda i: (i, 0)),
        out_shape=jax.ShapeDtypeStruct((T_TC, N_EXPERTS), jnp.float32),
        compiler_params=pltpu.CompilerParams(
            dimension_semantics=("parallel",)
        ),
    )(x, W)


def kernel(x, W):
    wt = W.T
    sc_out = _sc_gate(T_TC, T_SC)(x, wt)
    tc_out = _tc_gate(x, W)
    return tc_out, sc_out

# --- scband reference (transcript-rebuilt; emitter-appended) ---
"""Pipeline reference for scband-gate-47090021433363 (READ-ONLY COPY).

The authoritative reference and input builder live on the scoring server;
editing this copy changes nothing except your own understanding.
"""

import jax, jax.numpy as jnp
import numpy as np

TOKENS = 8192
D_MODEL = 1024
N_EXPERTS = 16


def setup_inputs(seed: int = 0) -> dict:
    key = jax.random.key(seed)
    k1, k2 = jax.random.split(key)
    x = jax.random.normal(k1, (TOKENS, D_MODEL), dtype=jnp.float32)
    # learned gate projection weight, sized per init_kwargs (input_shape -> n_experts)
    W = jax.random.normal(k2, (D_MODEL, N_EXPERTS), dtype=jnp.float32) * (1.0 / np.sqrt(D_MODEL))
    return {"x": x, "W": W}


def reference(x, W):
    # Gate forward: project token representations to expert logits, then
    # normalize with softmax to obtain routing probabilities over experts.
    logits = jnp.dot(x, W)                      # [TOKENS, N_EXPERTS]
    gate_probs = jax.nn.softmax(logits, axis=-1)
    return gate_probs

if __name__ == "__main__":
    import jax
    _d = setup_inputs()
    print(jax.jit(kernel)(*tuple(_d.values())))

</pallas_src>

<mosaic_0001>
#map = affine_map<(d0, d1) -> (0, 0)>
module attributes {stable_mosaic.version = 14 : i64} {
  func.func @body(%arg0: i32, %arg1: i32, %arg2: memref<8192x1024xf32, #tpu.memory_space<hbm>>, %arg3: memref<16x1024xf32, #tpu.memory_space<hbm>>, %arg4: memref<512x16xf32, #tpu.memory_space<hbm>>, %arg5: memref<16x1024xf32, #tpu.memory_space<vmem>>, %arg6: memref<16x1024xf32, #tpu.memory_space<vmem>>, %arg7: memref<16x16xf32, #tpu.memory_space<vmem>>, %arg8: memref<16x16xf32, #tpu.memory_space<vmem>>, %arg9: memref<16x16xf32, #tpu.memory_space<vmem>>) attributes {dimension_semantics = [#tpu.dimension_semantics<core_parallel>, #tpu.dimension_semantics<subcore_parallel>], iteration_bounds = array<i64: 2, 16>, scalar_prefetch = 0 : i64, scratch_operands = 5 : i64, tpu.core_type = #tpu.core_type<sc_vector_subcore>, window_params = [{transform_indices = #map}, {transform_indices = #map}, {transform_indices = #map}]} {
    %mul3A = arith.constant 2 : i32
    %mul3A_0 = arith.muli %arg1, %mul3A : i32
    %add3A = arith.addi %mul3A_0, %arg0 : i32
    "tpu.region"() ({
      %run_scoped3A = tpu.sem_alloc : memref<!tpu.dma_semaphore, #tpu.memory_space<semaphore_mem>>
      tpu.enqueue_dma source(%arg3 : memref<16x1024xf32, #tpu.memory_space<hbm>>) target(%arg6 : memref<16x1024xf32, #tpu.memory_space<vmem>>) target_semaphore(%run_scoped3A : memref<!tpu.dma_semaphore, #tpu.memory_space<semaphore_mem>>)
      tpu.wait_dma2 semaphore(%run_scoped3A : memref<!tpu.dma_semaphore, #tpu.memory_space<semaphore_mem>>) src(%arg3 : memref<16x1024xf32, #tpu.memory_space<hbm>>) dst(%arg6 : memref<16x1024xf32, #tpu.memory_space<vmem>>)
      tpu.yield
    }) : () -> ()
    %iota3A = tpu.iota {dimensions = array<i32: 0>} : vector<16xi32>
    %scan3A = arith.constant 0 : i32
    %scan3A_1 = arith.constant 0 : i32
    %mul3A_2 = arith.constant 16 : i32
    %mul3A_3 = arith.muli %add3A, %mul3A_2 : i32
    %mul3A_4 = arith.constant 16 : i32
    %mul3A_5 = arith.muli %scan3A_1, %mul3A_4 : i32
    %add3A_6 = arith.addi %mul3A_3, %mul3A_5 : i32
    %add3A_7 = arith.constant 7680 : i32
    %add3A_8 = arith.addi %add3A_7, %add3A_6 : i32
    "tpu.region"() ({
      %run_scoped3A = tpu.sem_alloc : memref<!tpu.dma_semaphore, #tpu.memory_space<semaphore_mem>>
      %dma_start3A = arith.constant 0 : i32
      %dma_start3A_197 = tpu.memref_slice %arg2[%add3A_8, %dma_start3A] : memref<8192x1024xf32, #tpu.memory_space<hbm>> -> memref<16x1024xf32, #tpu.memory_space<hbm>>
      %dma_start3A_198 = arith.constant 0 : i32
      %dma_start3A_199 = tpu.memref_slice %arg2[%add3A_8, %dma_start3A_198] : memref<8192x1024xf32, #tpu.memory_space<hbm>> -> memref<16x1024xf32, #tpu.memory_space<hbm>>
      tpu.enqueue_dma source(%dma_start3A_199 : memref<16x1024xf32, #tpu.memory_space<hbm>>) target(%arg5 : memref<16x1024xf32, #tpu.memory_space<vmem>>) target_semaphore(%run_scoped3A : memref<!tpu.dma_semaphore, #tpu.memory_space<semaphore_mem>>)
      %dma_wait3A = arith.constant 0 : i32
      %dma_wait3A_200 = tpu.memref_slice %arg2[%add3A_8, %dma_wait3A] : memref<8192x1024xf32, #tpu.memory_space<hbm>> -> memref<16x1024xf32, #tpu.memory_space<hbm>>
      %dma_wait3A_201 = arith.constant 0 : i32
      %dma_wait3A_202 = tpu.memref_slice %arg2[%add3A_8, %dma_wait3A_201] : memref<8192x1024xf32, #tpu.memory_space<hbm>> -> memref<16x1024xf32, #tpu.memory_space<hbm>>
      tpu.wait_dma2 semaphore(%run_scoped3A : memref<!tpu.dma_semaphore, #tpu.memory_space<semaphore_mem>>) src(%dma_wait3A_202 : memref<16x1024xf32, #tpu.memory_space<hbm>>) dst(%arg5 : memref<16x1024xf32, #tpu.memory_space<vmem>>)
      tpu.yield
    }) : () -> ()
    %scan3A_9 = arith.constant 0 : i32
    %scan3A_10 = arith.constant 0 : i32
    %scan3A_11 = arith.constant 0 : i32
    %scan3A_12 = arith.constant 0 : i32
    %scan3A_13 = arith.constant 16 : i32
    %scan3A_14 = arith.addi %scan3A_12, %scan3A_13 : i32
    %scan3A_15 = arith.constant 1 : i32
    %scan3A_16 = scf.for %scan3A_197 = %scan3A_12 to %scan3A_14 step %scan3A_15 iter_args(%scan3A_198 = %scan3A_11) -> (i32)  : i32 {
      %mul3A_199 = arith.constant 16 : i32
      %mul3A_200 = arith.muli %scan3A_10, %mul3A_199 : i32
      %add3A_201 = arith.addi %mul3A_200, %scan3A_197 : i32
      %broadcast_in_dim3A_202 = arith.constant 0.000000e+00 : f32
      %broadcast_in_dim3A_203 = vector.broadcast %broadcast_in_dim3A_202 : f32 to vector<16xf32>
      %broadcast_in_dim3A_204 = arith.constant 0.000000e+00 : f32
      %broadcast_in_dim3A_205 = vector.broadcast %broadcast_in_dim3A_204 : f32 to vector<16xf32>
      %broadcast_in_dim3A_206 = arith.constant 0.000000e+00 : f32
      %broadcast_in_dim3A_207 = vector.broadcast %broadcast_in_dim3A_206 : f32 to vector<16xf32>
      %broadcast_in_dim3A_208 = arith.constant 0.000000e+00 : f32
      %broadcast_in_dim3A_209 = vector.broadcast %broadcast_in_dim3A_208 : f32 to vector<16xf32>
      %broadcast_in_dim3A_210 = arith.constant 0.000000e+00 : f32
      %broadcast_in_dim3A_211 = vector.broadcast %broadcast_in_dim3A_210 : f32 to vector<16xf32>
      %broadcast_in_dim3A_212 = arith.constant 0.000000e+00 : f32
      %broadcast_in_dim3A_213 = vector.broadcast %broadcast_in_dim3A_212 : f32 to vector<16xf32>
      %broadcast_in_dim3A_214 = arith.constant 0.000000e+00 : f32
      %broadcast_in_dim3A_215 = vector.broadcast %broadcast_in_dim3A_214 : f32 to vector<16xf32>
      %broadcast_in_dim3A_216 = arith.constant 0.000000e+00 : f32
      %broadcast_in_dim3A_217 = vector.broadcast %broadcast_in_dim3A_216 : f32 to vector<16xf32>
      %broadcast_in_dim3A_218 = arith.constant 0.000000e+00 : f32
      %broadcast_in_dim3A_219 = vector.broadcast %broadcast_in_dim3A_218 : f32 to vector<16xf32>
      %broadcast_in_dim3A_220 = arith.constant 0.000000e+00 : f32
      %broadcast_in_dim3A_221 = vector.broadcast %broadcast_in_dim3A_220 : f32 to vector<16xf32>
      %broadcast_in_dim3A_222 = arith.constant 0.000000e+00 : f32
      %broadcast_in_dim3A_223 = vector.broadcast %broadcast_in_dim3A_222 : f32 to vector<16xf32>
      %broadcast_in_dim3A_224 = arith.constant 0.000000e+00 : f32
      %broadcast_in_dim3A_225 = vector.broadcast %broadcast_in_dim3A_224 : f32 to vector<16xf32>
      %broadcast_in_dim3A_226 = arith.constant 0.000000e+00 : f32
      %broadcast_in_dim3A_227 = vector.broadcast %broadcast_in_dim3A_226 : f32 to vector<16xf32>
      %broadcast_in_dim3A_228 = arith.constant 0.000000e+00 : f32
      %broadcast_in_dim3A_229 = vector.broadcast %broadcast_in_dim3A_228 : f32 to vector<16xf32>
      %broadcast_in_dim3A_230 = arith.constant 0.000000e+00 : f32
      %broadcast_in_dim3A_231 = vector.broadcast %broadcast_in_dim3A_230 : f32 to vector<16xf32>
      %broadcast_in_dim3A_232 = arith.constant 0.000000e+00 : f32
      %broadcast_in_dim3A_233 = vector.broadcast %broadcast_in_dim3A_232 : f32 to vector<16xf32>
      %scan3A_234 = arith.constant 0 : i32
      %scan3A_235 = arith.constant 64 : i32
      %scan3A_236 = arith.addi %scan3A_234, %scan3A_235 : i32
      %scan3A_237 = arith.constant 1 : i32
      %scan3A_238:16 = scf.for %scan3A_370 = %scan3A_234 to %scan3A_236 step %scan3A_237 iter_args(%scan3A_371 = %broadcast_in_dim3A_203, %scan3A_372 = %broadcast_in_dim3A_205, %scan3A_373 = %broadcast_in_dim3A_207, %scan3A_374 = %broadcast_in_dim3A_209, %scan3A_375 = %broadcast_in_dim3A_211, %scan3A_376 = %broadcast_in_dim3A_213, %scan3A_377 = %broadcast_in_dim3A_215, %scan3A_378 = %broadcast_in_dim3A_217, %scan3A_379 = %broadcast_in_dim3A_219, %scan3A_380 = %broadcast_in_dim3A_221, %scan3A_381 = %broadcast_in_dim3A_223, %scan3A_382 = %broadcast_in_dim3A_225, %scan3A_383 = %broadcast_in_dim3A_227, %scan3A_384 = %broadcast_in_dim3A_229, %scan3A_385 = %broadcast_in_dim3A_231, %scan3A_386 = %broadcast_in_dim3A_233) -> (vector<16xf32>, vector<16xf32>, vector<16xf32>, vector<16xf32>, vector<16xf32>, vector<16xf32>, vector<16xf32>, vector<16xf32>, vector<16xf32>, vector<16xf32>, vector<16xf32>, vector<16xf32>, vector<16xf32>, vector<16xf32>, vector<16xf32>, vector<16xf32>)  : i32 {
        %mul3A_387 = arith.constant 16 : i32
        %mul3A_388 = arith.muli %scan3A_370, %mul3A_387 : i32
        %get3A = arith.index_cast %add3A_201 : i32 to index
        %get3A_389 = arith.index_cast %mul3A_388 : i32 to index
        %get3A_390 = tpu.vector_load %arg5[%get3A, %get3A_389] {strides = array<i32>} : memref<16x1024xf32, #tpu.memory_space<vmem>>, vector<16xf32>,
        %mul3A_391 = arith.constant 16 : i32
        %mul3A_392 = arith.muli %scan3A_370, %mul3A_391 : i32
        %get3A_393 = arith.constant 0 : i32
        %get3A_394 = arith.index_cast %get3A_393 : i32 to index
        %get3A_395 = arith.index_cast %mul3A_392 : i32 to index
        %get3A_396 = tpu.vector_load %arg6[%get3A_394, %get3A_395] {strides = array<i32>} : memref<16x1024xf32, #tpu.memory_space<vmem>>, vector<16xf32>,
        %mul3A_397 = arith.mulf %get3A_390, %get3A_396 : vector<16xf32>
        %add3A_398 = arith.addf %scan3A_371, %mul3A_397 : vector<16xf32>
        %mul3A_399 = arith.constant 16 : i32
        %mul3A_400 = arith.muli %scan3A_370, %mul3A_399 : i32
        %get3A_401 = arith.constant 1 : i32
        %get3A_402 = arith.index_cast %get3A_401 : i32 to index
        %get3A_403 = arith.index_cast %mul3A_400 : i32 to index
        %get3A_404 = tpu.vector_load %arg6[%get3A_402, %get3A_403] {strides = array<i32>} : memref<16x1024xf32, #tpu.memory_space<vmem>>, vector<16xf32>,
        %mul3A_405 = arith.mulf %get3A_390, %get3A_404 : vector<16xf32>
        %add3A_406 = arith.addf %scan3A_372, %mul3A_405 : vector<16xf32>
        %mul3A_407 = arith.constant 16 : i32
        %mul3A_408 = arith.muli %scan3A_370, %mul3A_407 : i32
        %get3A_409 = arith.constant 2 : i32
        %get3A_410 = arith.index_cast %get3A_409 : i32 to index
        %get3A_411 = arith.index_cast %mul3A_408 : i32 to index
        %get3A_412 = tpu.vector_load %arg6[%get3A_410, %get3A_411] {strides = array<i32>} : memref<16x1024xf32, #tpu.memory_space<vmem>>, vector<16xf32>,
        %mul3A_413 = arith.mulf %get3A_390, %get3A_412 : vector<16xf32>
        %add3A_414 = arith.addf %scan3A_373, %mul3A_413 : vector<16xf32>
        %mul3A_415 = arith.constant 16 : i32
        %mul3A_416 = arith.muli %scan3A_370, %mul3A_415 : i32
        %get3A_417 = arith.constant 3 : i32
        %get3A_418 = arith.index_cast %get3A_417 : i32 to index
        %get3A_419 = arith.index_cast %mul3A_416 : i32 to index
        %get3A_420 = tpu.vector_load %arg6[%get3A_418, %get3A_419] {strides = array<i32>} : memref<16x1024xf32, #tpu.memory_space<vmem>>, vector<16xf32>,
        %mul3A_421 = arith.mulf %get3A_390, %get3A_420 : vector<16xf32>
        %add3A_422 = arith.addf %scan3A_374, %mul3A_421 : vector<16xf32>
        %mul3A_423 = arith.constant 16 : i32
        %mul3A_424 = arith.muli %scan3A_370, %mul3A_423 : i32
        %get3A_425 = arith.constant 4 : i32
        %get3A_426 = arith.index_cast %get3A_425 : i32 to index
        %get3A_427 = arith.index_cast %mul3A_424 : i32 to index
        %get3A_428 = tpu.vector_load %arg6[%get3A_426, %get3A_427] {strides = array<i32>} : memref<16x1024xf32, #tpu.memory_space<vmem>>, vector<16xf32>,
        %mul3A_429 = arith.mulf %get3A_390, %get3A_428 : vector<16xf32>
        %add3A_430 = arith.addf %scan3A_375, %mul3A_429 : vector<16xf32>
        %mul3A_431 = arith.constant 16 : i32
        %mul3A_432 = arith.muli %scan3A_370, %mul3A_431 : i32
        %get3A_433 = arith.constant 5 : i32
        %get3A_434 = arith.index_cast %get3A_433 : i32 to index
        %get3A_435 = arith.index_cast %mul3A_432 : i32 to index
        %get3A_436 = tpu.vector_load %arg6[%get3A_434, %get3A_435] {strides = array<i32>} : memref<16x1024xf32, #tpu.memory_space<vmem>>, vector<16xf32>,
        %mul3A_437 = arith.mulf %get3A_390, %get3A_436 : vector<16xf32>
        %add3A_438 = arith.addf %scan3A_376, %mul3A_437 : vector<16xf32>
        %mul3A_439 = arith.constant 16 : i32
        %mul3A_440 = arith.muli %scan3A_370, %mul3A_439 : i32
        %get3A_441 = arith.constant 6 : i32
        %get3A_442 = arith.index_cast %get3A_441 : i32 to index
        %get3A_443 = arith.index_cast %mul3A_440 : i32 to index
        %get3A_444 = tpu.vector_load %arg6[%get3A_442, %get3A_443] {strides = array<i32>} : memref<16x1024xf32, #tpu.memory_space<vmem>>, vector<16xf32>,
        %mul3A_445 = arith.mulf %get3A_390, %get3A_444 : vector<16xf32>
        %add3A_446 = arith.addf %scan3A_377, %mul3A_445 : vector<16xf32>
        %mul3A_447 = arith.constant 16 : i32
        %mul3A_448 = arith.muli %scan3A_370, %mul3A_447 : i32
        %get3A_449 = arith.constant 7 : i32
        %get3A_450 = arith.index_cast %get3A_449 : i32 to index
        %get3A_451 = arith.index_cast %mul3A_448 : i32 to index
        %get3A_452 = tpu.vector_load %arg6[%get3A_450, %get3A_451] {strides = array<i32>} : memref<16x1024xf32, #tpu.memory_space<vmem>>, vector<16xf32>,
        %mul3A_453 = arith.mulf %get3A_390, %get3A_452 : vector<16xf32>
        %add3A_454 = arith.addf %scan3A_378, %mul3A_453 : vector<16xf32>
        %mul3A_455 = arith.constant 16 : i32
        %mul3A_456 = arith.muli %scan3A_370, %mul3A_455 : i32
        %get3A_457 = arith.constant 8 : i32
        %get3A_458 = arith.index_cast %get3A_457 : i32 to index
        %get3A_459 = arith.index_cast %mul3A_456 : i32 to index
        %get3A_460 = tpu.vector_load %arg6[%get3A_458, %get3A_459] {strides = array<i32>} : memref<16x1024xf32, #tpu.memory_space<vmem>>, vector<16xf32>,
        %mul3A_461 = arith.mulf %get3A_390, %get3A_460 : vector<16xf32>
        %add3A_462 = arith.addf %scan3A_379, %mul3A_461 : vector<16xf32>
        %mul3A_463 = arith.constant 16 : i32
        %mul3A_464 = arith.muli %scan3A_370, %mul3A_463 : i32
        %get3A_465 = arith.constant 9 : i32
        %get3A_466 = arith.index_cast %get3A_465 : i32 to index
        %get3A_467 = arith.index_cast %mul3A_464 : i32 to index
        %get3A_468 = tpu.vector_load %arg6[%get3A_466, %get3A_467] {strides = array<i32>} : memref<16x1024xf32, #tpu.memory_space<vmem>>, vector<16xf32>,
        %mul3A_469 = arith.mulf %get3A_390, %get3A_468 : vector<16xf32>
        %add3A_470 = arith.addf %scan3A_380, %mul3A_469 : vector<16xf32>
        %mul3A_471 = arith.constant 16 : i32
        %mul3A_472 = arith.muli %scan3A_370, %mul3A_471 : i32
        %get3A_473 = arith.constant 10 : i32
        %get3A_474 = arith.index_cast %get3A_473 : i32 to index
        %get3A_475 = arith.index_cast %mul3A_472 : i32 to index
        %get3A_476 = tpu.vector_load %arg6[%get3A_474, %get3A_475] {strides = array<i32>} : memref<16x1024xf32, #tpu.memory_space<vmem>>, vector<16xf32>,
        %mul3A_477 = arith.mulf %get3A_390, %get3A_476 : vector<16xf32>
        %add3A_478 = arith.addf %scan3A_381, %mul3A_477 : vector<16xf32>
        %mul3A_479 = arith.constant 16 : i32
        %mul3A_480 = arith.muli %scan3A_370, %mul3A_479 : i32
        %get3A_481 = arith.constant 11 : i32
        %get3A_482 = arith.index_cast %get3A_481 : i32 to index
        %get3A_483 = arith.index_cast %mul3A_480 : i32 to index
        %get3A_484 = tpu.vector_load %arg6[%get3A_482, %get3A_483] {strides = array<i32>} : memref<16x1024xf32, #tpu.memory_space<vmem>>, vector<16xf32>,
        %mul3A_485 = arith.mulf %get3A_390, %get3A_484 : vector<16xf32>
        %add3A_486 = arith.addf %scan3A_382, %mul3A_485 : vector<16xf32>
        %mul3A_487 = arith.constant 16 : i32
        %mul3A_488 = arith.muli %scan3A_370, %mul3A_487 : i32
        %get3A_489 = arith.constant 12 : i32
        %get3A_490 = arith.index_cast %get3A_489 : i32 to index
        %get3A_491 = arith.index_cast %mul3A_488 : i32 to index
        %get3A_492 = tpu.vector_load %arg6[%get3A_490, %get3A_491] {strides = array<i32>} : memref<16x1024xf32, #tpu.memory_space<vmem>>, vector<16xf32>,
        %mul3A_493 = arith.mulf %get3A_390, %get3A_492 : vector<16xf32>
        %add3A_494 = arith.addf %scan3A_383, %mul3A_493 : vector<16xf32>
        %mul3A_495 = arith.constant 16 : i32
        %mul3A_496 = arith.muli %scan3A_370, %mul3A_495 : i32
        %get3A_497 = arith.constant 13 : i32
        %get3A_498 = arith.index_cast %get3A_497 : i32 to index
        %get3A_499 = arith.index_cast %mul3A_496 : i32 to index
        %get3A_500 = tpu.vector_load %arg6[%get3A_498, %get3A_499] {strides = array<i32>} : memref<16x1024xf32, #tpu.memory_space<vmem>>, vector<16xf32>,
        %mul3A_501 = arith.mulf %get3A_390, %get3A_500 : vector<16xf32>
        %add3A_502 = arith.addf %scan3A_384, %mul3A_501 : vector<16xf32>
        %mul3A_503 = arith.constant 16 : i32
        %mul3A_504 = arith.muli %scan3A_370, %mul3A_503 : i32
        %get3A_505 = arith.constant 14 : i32
        %get3A_506 = arith.index_cast %get3A_505 : i32 to index
        %get3A_507 = arith.index_cast %mul3A_504 : i32 to index
        %get3A_508 = tpu.vector_load %arg6[%get3A_506, %get3A_507] {strides = array<i32>} : memref<16x1024xf32, #tpu.memory_space<vmem>>, vector<16xf32>,
        %mul3A_509 = arith.mulf %get3A_390, %get3A_508 : vector<16xf32>
        %add3A_510 = arith.addf %scan3A_385, %mul3A_509 : vector<16xf32>
        %mul3A_511 = arith.constant 16 : i32
        %mul3A_512 = arith.muli %scan3A_370, %mul3A_511 : i32
        %get3A_513 = arith.constant 15 : i32
        %get3A_514 = arith.index_cast %get3A_513 : i32 to index
        %get3A_515 = arith.index_cast %mul3A_512 : i32 to index
        %get3A_516 = tpu.vector_load %arg6[%get3A_514, %get3A_515] {strides = array<i32>} : memref<16x1024xf32, #tpu.memory_space<vmem>>, vector<16xf32>,
        %mul3A_517 = arith.mulf %get3A_390, %get3A_516 : vector<16xf32>
        %add3A_518 = arith.addf %scan3A_386, %mul3A_517 : vector<16xf32>
        scf.yield %add3A_398, %add3A_406, %add3A_414, %add3A_422, %add3A_430, %add3A_438, %add3A_446, %add3A_454, %add3A_462, %add3A_470, %add3A_478, %add3A_486, %add3A_494, %add3A_502, %add3A_510, %add3A_518 : vector<16xf32>, vector<16xf32>, vector<16xf32>, vector<16xf32>, vector<16xf32>, vector<16xf32>, vector<16xf32>, vector<16xf32>, vector<16xf32>, vector<16xf32>, vector<16xf32>, vector<16xf32>, vector<16xf32>, vector<16xf32>, vector<16xf32>, vector<16xf32>
      }
      %scan3A_239 = arith.constant 64 : i32
      %swap3A = arith.constant 0 : i32
      %swap3A_240 = arith.index_cast %swap3A : i32 to index
      %swap3A_241 = arith.constant 0 : index
      %swap3A_242 = tpu.vector_load %arg8[%swap3A_240, %swap3A_241] {strides = array<i32>} : memref<16x16xf32, #tpu.memory_space<vmem>>, vector<16xf32>,
      tpu.vector_store %arg8[%swap3A_240, %swap3A_241], %scan3A_238#0 {strides = array<i32>} : memref<16x16xf32, #tpu.memory_space<vmem>>, vector<16xf32>,
      %swap3A_243 = arith.constant 1 : i32
      %swap3A_244 = arith.index_cast %swap3A_243 : i32 to index
      %swap3A_245 = arith.constant 0 : index
      %swap3A_246 = tpu.vector_load %arg8[%swap3A_244, %swap3A_245] {strides = array<i32>} : memref<16x16xf32, #tpu.memory_space<vmem>>, vector<16xf32>,
      tpu.vector_store %arg8[%swap3A_244, %swap3A_245], %scan3A_238#1 {strides = array<i32>} : memref<16x16xf32, #tpu.memory_space<vmem>>, vector<16xf32>,
      %swap3A_247 = arith.constant 2 : i32
      %swap3A_248 = arith.index_cast %swap3A_247 : i32 to index
      %swap3A_249 = arith.constant 0 : index
      %swap3A_250 = tpu.vector_load %arg8[%swap3A_248, %swap3A_249] {strides = array<i32>} : memref<16x16xf32, #tpu.memory_space<vmem>>, vector<16xf32>,
      tpu.vector_store %arg8[%swap3A_248, %swap3A_249], %scan3A_238#2 {strides = array<i32>} : memref<16x16xf32, #tpu.memory_space<vmem>>, vector<16xf32>,
      %swap3A_251 = arith.constant 3 : i32
      %swap3A_252 = arith.index_cast %swap3A_251 : i32 to index
      %swap3A_253 = arith.constant 0 : index
      %swap3A_254 = tpu.vector_load %arg8[%swap3A_252, %swap3A_253] {strides = array<i32>} : memref<16x16xf32, #tpu.memory_space<vmem>>, vector<16xf32>,
      tpu.vector_store %arg8[%swap3A_252, %swap3A_253], %scan3A_238#3 {strides = array<i32>} : memref<16x16xf32, #tpu.memory_space<vmem>>, vector<16xf32>,
      %swap3A_255 = arith.constant 4 : i32
      %swap3A_256 = arith.index_cast %swap3A_255 : i32 to index
      %swap3A_257 = arith.constant 0 : index
      %swap3A_258 = tpu.vector_load %arg8[%swap3A_256, %swap3A_257] {strides = array<i32>} : memref<16x16xf32, #tpu.memory_space<vmem>>, vector<16xf32>,
      tpu.vector_store %arg8[%swap3A_256, %swap3A_257], %scan3A_238#4 {strides = array<i32>} : memref<16x16xf32, #tpu.memory_space<vmem>>, vector<16xf32>,
      %swap3A_259 = arith.constant 5 : i32
      %swap3A_260 = arith.index_cast %swap3A_259 : i32 to index
      %swap3A_261 = arith.constant 0 : index
      %swap3A_262 = tpu.vector_load %arg8[%swap3A_260, %swap3A_261] {strides = array<i32>} : memref<16x16xf32, #tpu.memory_space<vmem>>, vector<16xf32>,
      tpu.vector_store %arg8[%swap3A_260, %swap3A_261], %scan3A_238#5 {strides = array<i32>} : memref<16x16xf32, #tpu.memory_space<vmem>>, vector<16xf32>,
      %swap3A_263 = arith.constant 6 : i32
      %swap3A_264 = arith.index_cast %swap3A_263 : i32 to index
      %swap3A_265 = arith.constant 0 : index
      %swap3A_266 = tpu.vector_load %arg8[%swap3A_264, %swap3A_265] {strides = array<i32>} : memref<16x16xf32, #tpu.memory_space<vmem>>, vector<16xf32>,
      tpu.vector_store %arg8[%swap3A_264, %swap3A_265], %scan3A_238#6 {strides = array<i32>} : memref<16x16xf32, #tpu.memory_space<vmem>>, vector<16xf32>,
      %swap3A_267 = arith.constant 7 : i32
      %swap3A_268 = arith.index_cast %swap3A_267 : i32 to index
      %swap3A_269 = arith.constant 0 : index
      %swap3A_270 = tpu.vector_load %arg8[%swap3A_268, %swap3A_269] {strides = array<i32>} : memref<16x16xf32, #tpu.memory_space<vmem>>, vector<16xf32>,
      tpu.vector_store %arg8[%swap3A_268, %swap3A_269], %scan3A_238#7 {strides = array<i32>} : memref<16x16xf32, #tpu.memory_space<vmem>>, vector<16xf32>,
      %swap3A_271 = arith.constant 8 : i32
      %swap3A_272 = arith.index_cast %swap3A_271 : i32 to index
      %swap3A_273 = arith.constant 0 : index
      %swap3A_274 = tpu.vector_load %arg8[%swap3A_272, %swap3A_273] {strides = array<i32>} : memref<16x16xf32, #tpu.memory_space<vmem>>, vector<16xf32>,
      tpu.vector_store %arg8[%swap3A_272, %swap3A_273], %scan3A_238#8 {strides = array<i32>} : memref<16x16xf32, #tpu.memory_space<vmem>>, vector<16xf32>,
      %swap3A_275 = arith.constant 9 : i32
      %swap3A_276 = arith.index_cast %swap3A_275 : i32 to index
      %swap3A_277 = arith.constant 0 : index
      %swap3A_278 = tpu.vector_load %arg8[%swap3A_276, %swap3A_277] {strides = array<i32>} : memref<16x16xf32, #tpu.memory_space<vmem>>, vector<16xf32>,
      tpu.vector_store %arg8[%swap3A_276, %swap3A_277], %scan3A_238#9 {strides = array<i32>} : memref<16x16xf32, #tpu.memory_space<vmem>>, vector<16xf32>,
      %swap3A_279 = arith.constant 10 : i32
      %swap3A_280 = arith.index_cast %swap3A_279 : i32 to index
      %swap3A_281 = arith.constant 0 : index
      %swap3A_282 = tpu.vector_load %arg8[%swap3A_280, %swap3A_281] {strides = array<i32>} : memref<16x16xf32, #tpu.memory_space<vmem>>, vector<16xf32>,
      tpu.vector_store %arg8[%swap3A_280, %swap3A_281], %scan3A_238#10 {strides = array<i32>} : memref<16x16xf32, #tpu.memory_space<vmem>>, vector<16xf32>,
      %swap3A_283 = arith.constant 11 : i32
      %swap3A_284 = arith.index_cast %swap3A_283 : i32 to index
      %swap3A_285 = arith.constant 0 : index
      %swap3A_286 = tpu.vector_load %arg8[%swap3A_284, %swap3A_285] {strides = array<i32>} : memref<16x16xf32, #tpu.memory_space<vmem>>, vector<16xf32>,
      tpu.vector_store %arg8[%swap3A_284, %swap3A_285], %scan3A_238#11 {strides = array<i32>} : memref<16x16xf32, #tpu.memory_space<vmem>>, vector<16xf32>,
      %swap3A_287 = arith.constant 12 : i32
      %swap3A_288 = arith.index_cast %swap3A_287 : i32 to index
      %swap3A_289 = arith.constant 0 : index
      %swap3A_290 = tpu.vector_load %arg8[%swap3A_288, %swap3A_289] {strides = array<i32>} : memref<16x16xf32, #tpu.memory_space<vmem>>, vector<16xf32>,
      tpu.vector_store %arg8[%swap3A_288, %swap3A_289], %scan3A_238#12 {strides = array<i32>} : memref<16x16xf32, #tpu.memory_space<vmem>>, vector<16xf32>,
      %swap3A_291 = arith.constant 13 : i32
      %swap3A_292 = arith.index_cast %swap3A_291 : i32 to index
      %swap3A_293 = arith.constant 0 : index
      %swap3A_294 = tpu.vector_load %arg8[%swap3A_292, %swap3A_293] {strides = array<i32>} : memref<16x16xf32, #tpu.memory_space<vmem>>, vector<16xf32>,
      tpu.vector_store %arg8[%swap3A_292, %swap3A_293], %scan3A_238#13 {strides = array<i32>} : memref<16x16xf32, #tpu.memory_space<vmem>>, vector<16xf32>,
      %swap3A_295 = arith.constant 14 : i32
      %swap3A_296 = arith.index_cast %swap3A_295 : i32 to index
      %swap3A_297 = arith.constant 0 : index
      %swap3A_298 = tpu.vector_load %arg8[%swap3A_296, %swap3A_297] {strides = array<i32>} : memref<16x16xf32, #tpu.memory_space<vmem>>, vector<16xf32>,
      tpu.vector_store %arg8[%swap3A_296, %swap3A_297], %scan3A_238#14 {strides = array<i32>} : memref<16x16xf32, #tpu.memory_space<vmem>>, vector<16xf32>,
      %swap3A_299 = arith.constant 15 : i32
      %swap3A_300 = arith.index_cast %swap3A_299 : i32 to index
      %swap3A_301 = arith.constant 0 : index
      %swap3A_302 = tpu.vector_load %arg8[%swap3A_300, %swap3A_301] {strides = array<i32>} : memref<16x16xf32, #tpu.memory_space<vmem>>, vector<16xf32>,
      tpu.vector_store %arg8[%swap3A_300, %swap3A_301], %scan3A_238#15 {strides = array<i32>} : memref<16x16xf32, #tpu.memory_space<vmem>>, vector<16xf32>,
      %broadcast_in_dim3A_303 = arith.constant 0 : i32
      %broadcast_in_dim3A_304 = vector.broadcast %broadcast_in_dim3A_303 : i32 to vector<16xi32>
      %gather3A_305 = tpu.vector_load_idx %arg8[%iota3A, %broadcast_in_dim3A_304] : memref<16x16xf32, #tpu.memory_space<vmem>>[vector<16xi32>, vector<16xi32>], vector<16xf32>,
      %broadcast_in_dim3A_306 = arith.constant 1 : i32
      %broadcast_in_dim3A_307 = vector.broadcast %broadcast_in_dim3A_306 : i32 to vector<16xi32>
      %gather3A_308 = tpu.vector_load_idx %arg8[%iota3A, %broadcast_in_dim3A_307] : memref<16x16xf32, #tpu.memory_space<vmem>>[vector<16xi32>, vector<16xi32>], vector<16xf32>,
      %add3A_309 = arith.addf %gather3A_305, %gather3A_308 : vector<16xf32>
      %broadcast_in_dim3A_310 = arith.constant 2 : i32
      %broadcast_in_dim3A_311 = vector.broadcast %broadcast_in_dim3A_310 : i32 to vector<16xi32>
      %gather3A_312 = tpu.vector_load_idx %arg8[%iota3A, %broadcast_in_dim3A_311] : memref<16x16xf32, #tpu.memory_space<vmem>>[vector<16xi32>, vector<16xi32>], vector<16xf32>,
      %add3A_313 = arith.addf %add3A_309, %gather3A_312 : vector<16xf32>
      %broadcast_in_dim3A_314 = arith.constant 3 : i32
      %broadcast_in_dim3A_315 = vector.broadcast %broadcast_in_dim3A_314 : i32 to vector<16xi32>
      %gather3A_316 = tpu.vector_load_idx %arg8[%iota3A, %broadcast_in_dim3A_315] : memref<16x16xf32, #tpu.memory_space<vmem>>[vector<16xi32>, vector<16xi32>], vector<16xf32>,
      %add3A_317 = arith.addf %add3A_313, %gather3A_316 : vector<16xf32>
      %broadcast_in_dim3A_318 = arith.constant 4 : i32
      %broadcast_in_dim3A_319 = vector.broadcast %broadcast_in_dim3A_318 : i32 to vector<16xi32>
      %gather3A_320 = tpu.vector_load_idx %arg8[%iota3A, %broadcast_in_dim3A_319] : memref<16x16xf32, #tpu.memory_space<vmem>>[vector<16xi32>, vector<16xi32>], vector<16xf32>,
      %add3A_321 = arith.addf %add3A_317, %gather3A_320 : vector<16xf32>
      %broadcast_in_dim3A_322 = arith.constant 5 : i32
      %broadcast_in_dim3A_323 = vector.broadcast %broadcast_in_dim3A_322 : i32 to vector<16xi32>
      %gather3A_324 = tpu.vector_load_idx %arg8[%iota3A, %broadcast_in_dim3A_323] : memref<16x16xf32, #tpu.memory_space<vmem>>[vector<16xi32>, vector<16xi32>], vector<16xf32>,
      %add3A_325 = arith.addf %add3A_321, %gather3A_324 : vector<16xf32>
      %broadcast_in_dim3A_326 = arith.constant 6 : i32
      %broadcast_in_dim3A_327 = vector.broadcast %broadcast_in_dim3A_326 : i32 to vector<16xi32>
      %gather3A_328 = tpu.vector_load_idx %arg8[%iota3A, %broadcast_in_dim3A_327] : memref<16x16xf32, #tpu.memory_space<vmem>>[vector<16xi32>, vector<16xi32>], vector<16xf32>,
      %add3A_329 = arith.addf %add3A_325, %gather3A_328 : vector<16xf32>
      %broadcast_in_dim3A_330 = arith.constant 7 : i32
      %broadcast_in_dim3A_331 = vector.broadcast %broadcast_in_dim3A_330 : i32 to vector<16xi32>
      %gather3A_332 = tpu.vector_load_idx %arg8[%iota3A, %broadcast_in_dim3A_331] : memref<16x16xf32, #tpu.memory_space<vmem>>[vector<16xi32>, vector<16xi32>], vector<16xf32>,
      %add3A_333 = arith.addf %add3A_329, %gather3A_332 : vector<16xf32>
      %broadcast_in_dim3A_334 = arith.constant 8 : i32
      %broadcast_in_dim3A_335 = vector.broadcast %broadcast_in_dim3A_334 : i32 to vector<16xi32>
      %gather3A_336 = tpu.vector_load_idx %arg8[%iota3A, %broadcast_in_dim3A_335] : memref<16x16xf32, #tpu.memory_space<vmem>>[vector<16xi32>, vector<16xi32>], vector<16xf32>,
      %add3A_337 = arith.addf %add3A_333, %gather3A_336 : vector<16xf32>
      %broadcast_in_dim3A_338 = arith.constant 9 : i32
      %broadcast_in_dim3A_339 = vector.broadcast %broadcast_in_dim3A_338 : i32 to vector<16xi32>
      %gather3A_340 = tpu.vector_load_idx %arg8[%iota3A, %broadcast_in_dim3A_339] : memref<16x16xf32, #tpu.memory_space<vmem>>[vector<16xi32>, vector<16xi32>], vector<16xf32>,
      %add3A_341 = arith.addf %add3A_337, %gather3A_340 : vector<16xf32>
      %broadcast_in_dim3A_342 = arith.constant 10 : i32
      %broadcast_in_dim3A_343 = vector.broadcast %broadcast_in_dim3A_342 : i32 to vector<16xi32>
      %gather3A_344 = tpu.vector_load_idx %arg8[%iota3A, %broadcast_in_dim3A_343] : memref<16x16xf32, #tpu.memory_space<vmem>>[vector<16xi32>, vector<16xi32>], vector<16xf32>,
      %add3A_345 = arith.addf %add3A_341, %gather3A_344 : vector<16xf32>
      %broadcast_in_dim3A_346 = arith.constant 11 : i32
      %broadcast_in_dim3A_347 = vector.broadcast %broadcast_in_dim3A_346 : i32 to vector<16xi32>
      %gather3A_348 = tpu.vector_load_idx %arg8[%iota3A, %broadcast_in_dim3A_347] : memref<16x16xf32, #tpu.memory_space<vmem>>[vector<16xi32>, vector<16xi32>], vector<16xf32>,
      %add3A_349 = arith.addf %add3A_345, %gather3A_348 : vector<16xf32>
      %broadcast_in_dim3A_350 = arith.constant 12 : i32
      %broadcast_in_dim3A_351 = vector.broadcast %broadcast_in_dim3A_350 : i32 to vector<16xi32>
      %gather3A_352 = tpu.vector_load_idx %arg8[%iota3A, %broadcast_in_dim3A_351] : memref<16x16xf32, #tpu.memory_space<vmem>>[vector<16xi32>, vector<16xi32>], vector<16xf32>,
      %add3A_353 = arith.addf %add3A_349, %gather3A_352 : vector<16xf32>
      %broadcast_in_dim3A_354 = arith.constant 13 : i32
      %broadcast_in_dim3A_355 = vector.broadcast %broadcast_in_dim3A_354 : i32 to vector<16xi32>
      %gather3A_356 = tpu.vector_load_idx %arg8[%iota3A, %broadcast_in_dim3A_355] : memref<16x16xf32, #tpu.memory_space<vmem>>[vector<16xi32>, vector<16xi32>], vector<16xf32>,
      %add3A_357 = arith.addf %add3A_353, %gather3A_356 : vector<16xf32>
      %broadcast_in_dim3A_358 = arith.constant 14 : i32
      %broadcast_in_dim3A_359 = vector.broadcast %broadcast_in_dim3A_358 : i32 to vector<16xi32>
      %gather3A_360 = tpu.vector_load_idx %arg8[%iota3A, %broadcast_in_dim3A_359] : memref<16x16xf32, #tpu.memory_space<vmem>>[vector<16xi32>, vector<16xi32>], vector<16xf32>,
      %add3A_361 = arith.addf %add3A_357, %gather3A_360 : vector<16xf32>
      %broadcast_in_dim3A_362 = arith.constant 15 : i32
      %broadcast_in_dim3A_363 = vector.broadcast %broadcast_in_dim3A_362 : i32 to vector<16xi32>
      %gather3A_364 = tpu.vector_load_idx %arg8[%iota3A, %broadcast_in_dim3A_363] : memref<16x16xf32, #tpu.memory_space<vmem>>[vector<16xi32>, vector<16xi32>], vector<16xf32>,
      %add3A_365 = arith.addf %add3A_361, %gather3A_364 : vector<16xf32>
      %exp3A = math.exp %add3A_365 : vector<16xf32>
      %swap3A_366 = arith.index_cast %scan3A_197 : i32 to index
      %swap3A_367 = arith.constant 0 : index
      %swap3A_368 = tpu.vector_load %arg9[%swap3A_366, %swap3A_367] {strides = array<i32>} : memref<16x16xf32, #tpu.memory_space<vmem>>, vector<16xf32>,
      tpu.vector_store %arg9[%swap3A_366, %swap3A_367], %exp3A {strides = array<i32>} : memref<16x16xf32, #tpu.memory_space<vmem>>, vector<16xf32>,
      %scan3A_369 = arith.constant 0 : i32
      scf.yield %scan3A_369 : i32
    }
    %scan3A_17 = arith.constant 16 : i32
    %broadcast_in_dim3A = arith.constant 0 : i32
    %broadcast_in_dim3A_18 = vector.broadcast %broadcast_in_dim3A : i32 to vector<16xi32>
    %gather3A = tpu.vector_load_idx %arg9[%iota3A, %broadcast_in_dim3A_18] : memref<16x16xf32, #tpu.memory_space<vmem>>[vector<16xi32>, vector<16xi32>], vector<16xf32>,
    %broadcast_in_dim3A_19 = arith.constant 1 : i32
    %broadcast_in_dim3A_20 = vector.broadcast %broadcast_in_dim3A_19 : i32 to vector<16xi32>
    %gather3A_21 = tpu.vector_load_idx %arg9[%iota3A, %broadcast_in_dim3A_20] : memref<16x16xf32, #tpu.memory_space<vmem>>[vector<16xi32>, vector<16xi32>], vector<16xf32>,
    %broadcast_in_dim3A_22 = arith.constant 2 : i32
    %broadcast_in_dim3A_23 = vector.broadcast %broadcast_in_dim3A_22 : i32 to vector<16xi32>
    %gather3A_24 = tpu.vector_load_idx %arg9[%iota3A, %broadcast_in_dim3A_23] : memref<16x16xf32, #tpu.memory_space<vmem>>[vector<16xi32>, vector<16xi32>], vector<16xf32>,
    %broadcast_in_dim3A_25 = arith.constant 3 : i32
    %broadcast_in_dim3A_26 = vector.broadcast %broadcast_in_dim3A_25 : i32 to vector<16xi32>
    %gather3A_27 = tpu.vector_load_idx %arg9[%iota3A, %broadcast_in_dim3A_26] : memref<16x16xf32, #tpu.memory_space<vmem>>[vector<16xi32>, vector<16xi32>], vector<16xf32>,
    %broadcast_in_dim3A_28 = arith.constant 4 : i32
    %broadcast_in_dim3A_29 = vector.broadcast %broadcast_in_dim3A_28 : i32 to vector<16xi32>
    %gather3A_30 = tpu.vector_load_idx %arg9[%iota3A, %broadcast_in_dim3A_29] : memref<16x16xf32, #tpu.memory_space<vmem>>[vector<16xi32>, vector<16xi32>], vector<16xf32>,
    %broadcast_in_dim3A_31 = arith.constant 5 : i32
    %broadcast_in_dim3A_32 = vector.broadcast %broadcast_in_dim3A_31 : i32 to vector<16xi32>
    %gather3A_33 = tpu.vector_load_idx %arg9[%iota3A, %broadcast_in_dim3A_32] : memref<16x16xf32, #tpu.memory_space<vmem>>[vector<16xi32>, vector<16xi32>], vector<16xf32>,
    %broadcast_in_dim3A_34 = arith.constant 6 : i32
    %broadcast_in_dim3A_35 = vector.broadcast %broadcast_in_dim3A_34 : i32 to vector<16xi32>
    %gather3A_36 = tpu.vector_load_idx %arg9[%iota3A, %broadcast_in_dim3A_35] : memref<16x16xf32, #tpu.memory_space<vmem>>[vector<16xi32>, vector<16xi32>], vector<16xf32>,
    %broadcast_in_dim3A_37 = arith.constant 7 : i32
    %broadcast_in_dim3A_38 = vector.broadcast %broadcast_in_dim3A_37 : i32 to vector<16xi32>
    %gather3A_39 = tpu.vector_load_idx %arg9[%iota3A, %broadcast_in_dim3A_38] : memref<16x16xf32, #tpu.memory_space<vmem>>[vector<16xi32>, vector<16xi32>], vector<16xf32>,
    %broadcast_in_dim3A_40 = arith.constant 8 : i32
    %broadcast_in_dim3A_41 = vector.broadcast %broadcast_in_dim3A_40 : i32 to vector<16xi32>
    %gather3A_42 = tpu.vector_load_idx %arg9[%iota3A, %broadcast_in_dim3A_41] : memref<16x16xf32, #tpu.memory_space<vmem>>[vector<16xi32>, vector<16xi32>], vector<16xf32>,
    %broadcast_in_dim3A_43 = arith.constant 9 : i32
    %broadcast_in_dim3A_44 = vector.broadcast %broadcast_in_dim3A_43 : i32 to vector<16xi32>
    %gather3A_45 = tpu.vector_load_idx %arg9[%iota3A, %broadcast_in_dim3A_44] : memref<16x16xf32, #tpu.memory_space<vmem>>[vector<16xi32>, vector<16xi32>], vector<16xf32>,
    %broadcast_in_dim3A_46 = arith.constant 10 : i32
    %broadcast_in_dim3A_47 = vector.broadcast %broadcast_in_dim3A_46 : i32 to vector<16xi32>
    %gather3A_48 = tpu.vector_load_idx %arg9[%iota3A, %broadcast_in_dim3A_47] : memref<16x16xf32, #tpu.memory_space<vmem>>[vector<16xi32>, vector<16xi32>], vector<16xf32>,
    %broadcast_in_dim3A_49 = arith.constant 11 : i32
    %broadcast_in_dim3A_50 = vector.broadcast %broadcast_in_dim3A_49 : i32 to vector<16xi32>
    %gather3A_51 = tpu.vector_load_idx %arg9[%iota3A, %broadcast_in_dim3A_50] : memref<16x16xf32, #tpu.memory_space<vmem>>[vector<16xi32>, vector<16xi32>], vector<16xf32>,
    %broadcast_in_dim3A_52 = arith.constant 12 : i32
    %broadcast_in_dim3A_53 = vector.broadcast %broadcast_in_dim3A_52 : i32 to vector<16xi32>
    %gather3A_54 = tpu.vector_load_idx %arg9[%iota3A, %broadcast_in_dim3A_53] : memref<16x16xf32, #tpu.memory_space<vmem>>[vector<16xi32>, vector<16xi32>], vector<16xf32>,
    %broadcast_in_dim3A_55 = arith.constant 13 : i32
    %broadcast_in_dim3A_56 = vector.broadcast %broadcast_in_dim3A_55 : i32 to vector<16xi32>
    %gather3A_57 = tpu.vector_load_idx %arg9[%iota3A, %broadcast_in_dim3A_56] : memref<16x16xf32, #tpu.memory_space<vmem>>[vector<16xi32>, vector<16xi32>], vector<16xf32>,
    %broadcast_in_dim3A_58 = arith.constant 14 : i32
    %broadcast_in_dim3A_59 = vector.broadcast %broadcast_in_dim3A_58 : i32 to vector<16xi32>
    %gather3A_60 = tpu.vector_load_idx %arg9[%iota3A, %broadcast_in_dim3A_59] : memref<16x16xf32, #tpu.memory_space<vmem>>[vector<16xi32>, vector<16xi32>], vector<16xf32>,
    %broadcast_in_dim3A_61 = arith.constant 15 : i32
    %broadcast_in_dim3A_62 = vector.broadcast %broadcast_in_dim3A_61 : i32 to vector<16xi32>
    %gather3A_63 = tpu.vector_load_idx %arg9[%iota3A, %broadcast_in_dim3A_62] : memref<16x16xf32, #tpu.memory_space<vmem>>[vector<16xi32>, vector<16xi32>], vector<16xf32>,
    %add3A_64 = arith.addf %gather3A, %gather3A_21 : vector<16xf32>
    %add3A_65 = arith.addf %add3A_64, %gather3A_24 : vector<16xf32>
    %add3A_66 = arith.addf %add3A_65, %gather3A_27 : vector<16xf32>
    %add3A_67 = arith.addf %add3A_66, %gather3A_30 : vector<16xf32>
    %add3A_68 = arith.addf %add3A_67, %gather3A_33 : vector<16xf32>
    %add3A_69 = arith.addf %add3A_68, %gather3A_36 : vector<16xf32>
    %add3A_70 = arith.addf %add3A_69, %gather3A_39 : vector<16xf32>
    %add3A_71 = arith.addf %add3A_70, %gather3A_42 : vector<16xf32>
    %add3A_72 = arith.addf %add3A_71, %gather3A_45 : vector<16xf32>
    %add3A_73 = arith.addf %add3A_72, %gather3A_48 : vector<16xf32>
    %add3A_74 = arith.addf %add3A_73, %gather3A_51 : vector<16xf32>
    %add3A_75 = arith.addf %add3A_74, %gather3A_54 : vector<16xf32>
    %add3A_76 = arith.addf %add3A_75, %gather3A_57 : vector<16xf32>
    %add3A_77 = arith.addf %add3A_76, %gather3A_60 : vector<16xf32>
    %add3A_78 = arith.addf %add3A_77, %gather3A_63 : vector<16xf32>
    %div3A = arith.constant 1.000000e+00 : f32
    %div3A_79 = vector.broadcast %div3A : f32 to vector<16xf32>
    %div3A_80 = arith.divf %div3A_79, %add3A_78 : vector<16xf32>
    %mul3A_81 = arith.constant 16 : i32
    %mul3A_82 = arith.muli %scan3A_10, %mul3A_81 : i32
    %add3A_83 = vector.broadcast %mul3A_82 : i32 to vector<16xi32>
    %add3A_84 = arith.addi %add3A_83, %iota3A : vector<16xi32>
    %broadcast_in_dim3A_85 = arith.constant 0 : i32
    %broadcast_in_dim3A_86 = vector.broadcast %broadcast_in_dim3A_85 : i32 to vector<16xi32>
    %mul3A_87 = arith.mulf %gather3A, %div3A_80 : vector<16xf32>
    tpu.vector_store_idx %arg7[%add3A_84, %broadcast_in_dim3A_86], %mul3A_87 : memref<16x16xf32, #tpu.memory_space<vmem>>[vector<16xi32>, vector<16xi32>], vector<16xf32>,
    %mul3A_88 = arith.constant 16 : i32
    %mul3A_89 = arith.muli %scan3A_10, %mul3A_88 : i32
    %add3A_90 = vector.broadcast %mul3A_89 : i32 to vector<16xi32>
    %add3A_91 = arith.addi %add3A_90, %iota3A : vector<16xi32>
    %broadcast_in_dim3A_92 = arith.constant 1 : i32
    %broadcast_in_dim3A_93 = vector.broadcast %broadcast_in_dim3A_92 : i32 to vector<16xi32>
    %mul3A_94 = arith.mulf %gather3A_21, %div3A_80 : vector<16xf32>
    tpu.vector_store_idx %arg7[%add3A_91, %broadcast_in_dim3A_93], %mul3A_94 : memref<16x16xf32, #tpu.memory_space<vmem>>[vector<16xi32>, vector<16xi32>], vector<16xf32>,
    %mul3A_95 = arith.constant 16 : i32
    %mul3A_96 = arith.muli %scan3A_10, %mul3A_95 : i32
    %add3A_97 = vector.broadcast %mul3A_96 : i32 to vector<16xi32>
    %add3A_98 = arith.addi %add3A_97, %iota3A : vector<16xi32>
    %broadcast_in_dim3A_99 = arith.constant 2 : i32
    %broadcast_in_dim3A_100 = vector.broadcast %broadcast_in_dim3A_99 : i32 to vector<16xi32>
    %mul3A_101 = arith.mulf %gather3A_24, %div3A_80 : vector<16xf32>
    tpu.vector_store_idx %arg7[%add3A_98, %broadcast_in_dim3A_100], %mul3A_101 : memref<16x16xf32, #tpu.memory_space<vmem>>[vector<16xi32>, vector<16xi32>], vector<16xf32>,
    %mul3A_102 = arith.constant 16 : i32
    %mul3A_103 = arith.muli %scan3A_10, %mul3A_102 : i32
    %add3A_104 = vector.broadcast %mul3A_103 : i32 to vector<16xi32>
    %add3A_105 = arith.addi %add3A_104, %iota3A : vector<16xi32>
    %broadcast_in_dim3A_106 = arith.constant 3 : i32
    %broadcast_in_dim3A_107 = vector.broadcast %broadcast_in_dim3A_106 : i32 to vector<16xi32>
    %mul3A_108 = arith.mulf %gather3A_27, %div3A_80 : vector<16xf32>
    tpu.vector_store_idx %arg7[%add3A_105, %broadcast_in_dim3A_107], %mul3A_108 : memref<16x16xf32, #tpu.memory_space<vmem>>[vector<16xi32>, vector<16xi32>], vector<16xf32>,
    %mul3A_109 = arith.constant 16 : i32
    %mul3A_110 = arith.muli %scan3A_10, %mul3A_109 : i32
    %add3A_111 = vector.broadcast %mul3A_110 : i32 to vector<16xi32>
    %add3A_112 = arith.addi %add3A_111, %iota3A : vector<16xi32>
    %broadcast_in_dim3A_113 = arith.constant 4 : i32
    %broadcast_in_dim3A_114 = vector.broadcast %broadcast_in_dim3A_113 : i32 to vector<16xi32>
    %mul3A_115 = arith.mulf %gather3A_30, %div3A_80 : vector<16xf32>
    tpu.vector_store_idx %arg7[%add3A_112, %broadcast_in_dim3A_114], %mul3A_115 : memref<16x16xf32, #tpu.memory_space<vmem>>[vector<16xi32>, vector<16xi32>], vector<16xf32>,
    %mul3A_116 = arith.constant 16 : i32
    %mul3A_117 = arith.muli %scan3A_10, %mul3A_116 : i32
    %add3A_118 = vector.broadcast %mul3A_117 : i32 to vector<16xi32>
    %add3A_119 = arith.addi %add3A_118, %iota3A : vector<16xi32>
    %broadcast_in_dim3A_120 = arith.constant 5 : i32
    %broadcast_in_dim3A_121 = vector.broadcast %broadcast_in_dim3A_120 : i32 to vector<16xi32>
    %mul3A_122 = arith.mulf %gather3A_33, %div3A_80 : vector<16xf32>
    tpu.vector_store_idx %arg7[%add3A_119, %broadcast_in_dim3A_121], %mul3A_122 : memref<16x16xf32, #tpu.memory_space<vmem>>[vector<16xi32>, vector<16xi32>], vector<16xf32>,
    %mul3A_123 = arith.constant 16 : i32
    %mul3A_124 = arith.muli %scan3A_10, %mul3A_123 : i32
    %add3A_125 = vector.broadcast %mul3A_124 : i32 to vector<16xi32>
    %add3A_126 = arith.addi %add3A_125, %iota3A : vector<16xi32>
    %broadcast_in_dim3A_127 = arith.constant 6 : i32
    %broadcast_in_dim3A_128 = vector.broadcast %broadcast_in_dim3A_127 : i32 to vector<16xi32>
    %mul3A_129 = arith.mulf %gather3A_36, %div3A_80 : vector<16xf32>
    tpu.vector_store_idx %arg7[%add3A_126, %broadcast_in_dim3A_128], %mul3A_129 : memref<16x16xf32, #tpu.memory_space<vmem>>[vector<16xi32>, vector<16xi32>], vector<16xf32>,
    %mul3A_130 = arith.constant 16 : i32
    %mul3A_131 = arith.muli %scan3A_10, %mul3A_130 : i32
    %add3A_132 = vector.broadcast %mul3A_131 : i32 to vector<16xi32>
    %add3A_133 = arith.addi %add3A_132, %iota3A : vector<16xi32>
    %broadcast_in_dim3A_134 = arith.constant 7 : i32
    %broadcast_in_dim3A_135 = vector.broadcast %broadcast_in_dim3A_134 : i32 to vector<16xi32>
    %mul3A_136 = arith.mulf %gather3A_39, %div3A_80 : vector<16xf32>
    tpu.vector_store_idx %arg7[%add3A_133, %broadcast_in_dim3A_135], %mul3A_136 : memref<16x16xf32, #tpu.memory_space<vmem>>[vector<16xi32>, vector<16xi32>], vector<16xf32>,
    %mul3A_137 = arith.constant 16 : i32
    %mul3A_138 = arith.muli %scan3A_10, %mul3A_137 : i32
    %add3A_139 = vector.broadcast %mul3A_138 : i32 to vector<16xi32>
    %add3A_140 = arith.addi %add3A_139, %iota3A : vector<16xi32>
    %broadcast_in_dim3A_141 = arith.constant 8 : i32
    %broadcast_in_dim3A_142 = vector.broadcast %broadcast_in_dim3A_141 : i32 to vector<16xi32>
    %mul3A_143 = arith.mulf %gather3A_42, %div3A_80 : vector<16xf32>
    tpu.vector_store_idx %arg7[%add3A_140, %broadcast_in_dim3A_142], %mul3A_143 : memref<16x16xf32, #tpu.memory_space<vmem>>[vector<16xi32>, vector<16xi32>], vector<16xf32>,
    %mul3A_144 = arith.constant 16 : i32
    %mul3A_145 = arith.muli %scan3A_10, %mul3A_144 : i32
    %add3A_146 = vector.broadcast %mul3A_145 : i32 to vector<16xi32>
    %add3A_147 = arith.addi %add3A_146, %iota3A : vector<16xi32>
    %broadcast_in_dim3A_148 = arith.constant 9 : i32
    %broadcast_in_dim3A_149 = vector.broadcast %broadcast_in_dim3A_148 : i32 to vector<16xi32>
    %mul3A_150 = arith.mulf %gather3A_45, %div3A_80 : vector<16xf32>
    tpu.vector_store_idx %arg7[%add3A_147, %broadcast_in_dim3A_149], %mul3A_150 : memref<16x16xf32, #tpu.memory_space<vmem>>[vector<16xi32>, vector<16xi32>], vector<16xf32>,
    %mul3A_151 = arith.constant 16 : i32
    %mul3A_152 = arith.muli %scan3A_10, %mul3A_151 : i32
    %add3A_153 = vector.broadcast %mul3A_152 : i32 to vector<16xi32>
    %add3A_154 = arith.addi %add3A_153, %iota3A : vector<16xi32>
    %broadcast_in_dim3A_155 = arith.constant 10 : i32
    %broadcast_in_dim3A_156 = vector.broadcast %broadcast_in_dim3A_155 : i32 to vector<16xi32>
    %mul3A_157 = arith.mulf %gather3A_48, %div3A_80 : vector<16xf32>
    tpu.vector_store_idx %arg7[%add3A_154, %broadcast_in_dim3A_156], %mul3A_157 : memref<16x16xf32, #tpu.memory_space<vmem>>[vector<16xi32>, vector<16xi32>], vector<16xf32>,
    %mul3A_158 = arith.constant 16 : i32
    %mul3A_159 = arith.muli %scan3A_10, %mul3A_158 : i32
    %add3A_160 = vector.broadcast %mul3A_159 : i32 to vector<16xi32>
    %add3A_161 = arith.addi %add3A_160, %iota3A : vector<16xi32>
    %broadcast_in_dim3A_162 = arith.constant 11 : i32
    %broadcast_in_dim3A_163 = vector.broadcast %broadcast_in_dim3A_162 : i32 to vector<16xi32>
    %mul3A_164 = arith.mulf %gather3A_51, %div3A_80 : vector<16xf32>
    tpu.vector_store_idx %arg7[%add3A_161, %broadcast_in_dim3A_163], %mul3A_164 : memref<16x16xf32, #tpu.memory_space<vmem>>[vector<16xi32>, vector<16xi32>], vector<16xf32>,
    %mul3A_165 = arith.constant 16 : i32
    %mul3A_166 = arith.muli %scan3A_10, %mul3A_165 : i32
    %add3A_167 = vector.broadcast %mul3A_166 : i32 to vector<16xi32>
    %add3A_168 = arith.addi %add3A_167, %iota3A : vector<16xi32>
    %broadcast_in_dim3A_169 = arith.constant 12 : i32
    %broadcast_in_dim3A_170 = vector.broadcast %broadcast_in_dim3A_169 : i32 to vector<16xi32>
    %mul3A_171 = arith.mulf %gather3A_54, %div3A_80 : vector<16xf32>
    tpu.vector_store_idx %arg7[%add3A_168, %broadcast_in_dim3A_170], %mul3A_171 : memref<16x16xf32, #tpu.memory_space<vmem>>[vector<16xi32>, vector<16xi32>], vector<16xf32>,
    %mul3A_172 = arith.constant 16 : i32
    %mul3A_173 = arith.muli %scan3A_10, %mul3A_172 : i32
    %add3A_174 = vector.broadcast %mul3A_173 : i32 to vector<16xi32>
    %add3A_175 = arith.addi %add3A_174, %iota3A : vector<16xi32>
    %broadcast_in_dim3A_176 = arith.constant 13 : i32
    %broadcast_in_dim3A_177 = vector.broadcast %broadcast_in_dim3A_176 : i32 to vector<16xi32>
    %mul3A_178 = arith.mulf %gather3A_57, %div3A_80 : vector<16xf32>
    tpu.vector_store_idx %arg7[%add3A_175, %broadcast_in_dim3A_177], %mul3A_178 : memref<16x16xf32, #tpu.memory_space<vmem>>[vector<16xi32>, vector<16xi32>], vector<16xf32>,
    %mul3A_179 = arith.constant 16 : i32
    %mul3A_180 = arith.muli %scan3A_10, %mul3A_179 : i32
    %add3A_181 = vector.broadcast %mul3A_180 : i32 to vector<16xi32>
    %add3A_182 = arith.addi %add3A_181, %iota3A : vector<16xi32>
    %broadcast_in_dim3A_183 = arith.constant 14 : i32
    %broadcast_in_dim3A_184 = vector.broadcast %broadcast_in_dim3A_183 : i32 to vector<16xi32>
    %mul3A_185 = arith.mulf %gather3A_60, %div3A_80 : vector<16xf32>
    tpu.vector_store_idx %arg7[%add3A_182, %broadcast_in_dim3A_184], %mul3A_185 : memref<16x16xf32, #tpu.memory_space<vmem>>[vector<16xi32>, vector<16xi32>], vector<16xf32>,
    %mul3A_186 = arith.constant 16 : i32
    %mul3A_187 = arith.muli %scan3A_10, %mul3A_186 : i32
    %add3A_188 = vector.broadcast %mul3A_187 : i32 to vector<16xi32>
    %add3A_189 = arith.addi %add3A_188, %iota3A : vector<16xi32>
    %broadcast_in_dim3A_190 = arith.constant 15 : i32
    %broadcast_in_dim3A_191 = vector.broadcast %broadcast_in_dim3A_190 : i32 to vector<16xi32>
    %mul3A_192 = arith.mulf %gather3A_63, %div3A_80 : vector<16xf32>
    tpu.vector_store_idx %arg7[%add3A_189, %broadcast_in_dim3A_191], %mul3A_192 : memref<16x16xf32, #tpu.memory_space<vmem>>[vector<16xi32>, vector<16xi32>], vector<16xf32>,
    %scan3A_193 = arith.constant 0 : i32
    %scan3A_194 = arith.constant 1 : i32
    "tpu.region"() ({
      %run_scoped3A = tpu.sem_alloc : memref<!tpu.dma_semaphore, #tpu.memory_space<semaphore_mem>>
      %dma_start3A = arith.constant 0 : i32
      %dma_start3A_197 = tpu.memref_slice %arg4[%add3A_6, %dma_start3A] : memref<512x16xf32, #tpu.memory_space<hbm>> -> memref<16x16xf32, #tpu.memory_space<hbm>>
      %dma_start3A_198 = arith.constant 0 : i32
      %dma_start3A_199 = tpu.memref_slice %arg4[%add3A_6, %dma_start3A_198] : memref<512x16xf32, #tpu.memory_space<hbm>> -> memref<16x16xf32, #tpu.memory_space<hbm>>
      tpu.enqueue_dma source(%arg7 : memref<16x16xf32, #tpu.memory_space<vmem>>) target(%dma_start3A_199 : memref<16x16xf32, #tpu.memory_space<hbm>>) target_semaphore(%run_scoped3A : memref<!tpu.dma_semaphore, #tpu.memory_space<semaphore_mem>>)
      %dma_wait3A = arith.constant 0 : i32
      %dma_wait3A_200 = tpu.memref_slice %arg4[%add3A_6, %dma_wait3A] : memref<512x16xf32, #tpu.memory_space<hbm>> -> memref<16x16xf32, #tpu.memory_space<hbm>>
      %dma_wait3A_201 = arith.constant 0 : i32
      %dma_wait3A_202 = tpu.memref_slice %arg4[%add3A_6, %dma_wait3A_201] : memref<512x16xf32, #tpu.memory_space<hbm>> -> memref<16x16xf32, #tpu.memory_space<hbm>>
      tpu.wait_dma2 semaphore(%run_scoped3A : memref<!tpu.dma_semaphore, #tpu.memory_space<semaphore_mem>>) src(%arg7 : memref<16x16xf32, #tpu.memory_space<vmem>>) dst(%dma_wait3A_202 : memref<16x16xf32, #tpu.memory_space<hbm>>)
      tpu.yield
    }) : () -> ()
    %scan3A_195 = arith.constant 0 : i32
    %scan3A_196 = arith.constant 1 : i32
    return
  }
}

module attributes {stable_mosaic.version = 14 : i64} {
  func.func @_tc_block(%arg0: i32, %arg1: memref<1920x1024xf32, #tpu.memory_space<vmem>>, %arg2: memref<1024x16xf32, #tpu.memory_space<vmem>>, %arg3: memref<1920x16xf32, #tpu.memory_space<vmem>>) attributes {dimension_semantics = [#tpu.dimension_semantics<parallel>], iteration_bounds = array<i64: 4>, scalar_prefetch = 0 : i64, scratch_operands = 0 : i64, tpu.core_type = #tpu.core_type<tc>, window_params = [{transform_indices = @transform_0, window_bounds = array<i64: 1920, 1024>}, {pipeline_mode = #tpu.pipeline_mode<synchronous>, transform_indices = @transform_1, window_bounds = array<i64: 1024, 16>}, {transform_indices = @transform_2, window_bounds = array<i64: 1920, 16>}]} {
    %get3A = arith.constant 0 : index
    %get3A_0 = arith.constant 0 : index
    %get3A_1 = vector.load %arg1[%get3A, %get3A_0] : memref<1920x1024xf32, #tpu.memory_space<vmem>>, vector<1920x1024xf32>
    %convert_element_type3A = arith.truncf %get3A_1 : vector<1920x1024xf32> to vector<1920x1024xbf16>
    %get3A_2 = arith.constant 0 : index
    %get3A_3 = arith.constant 0 : index
    %get3A_4 = vector.load %arg2[%get3A_2, %get3A_3] : memref<1024x16xf32, #tpu.memory_space<vmem>>, vector<1024x16xf32>
    %convert_element_type3A_5 = arith.truncf %get3A_4 : vector<1024x16xf32> to vector<1024x16xbf16>
    %dot_general3A = arith.constant dense<0.000000e+00> : vector<1920x16xf32>
    %dot_general3A_6 = tpu.matmul %convert_element_type3A, %convert_element_type3A_5, %dot_general3A {dimension_numbers = #tpu.dot_dimension_numbers<[1], [0], [0], [1], [0, 0, 1, 1], [], []>, transpose_lhs_hint = false} : vector<1920x1024xbf16>, vector<1024x16xbf16>, vector<1920x16xf32> -> vector<1920x16xf32>
    %reduce_max3A = arith.constant dense<0xFF800000> : vector<1920xf32>
    %reduce_max3A_7 = vector.multi_reduction <maximumf>, %dot_general3A_6, %reduce_max3A [1] : vector<1920x16xf32> to vector<1920xf32>
    %broadcast_in_dim3A = vector.shape_cast %reduce_max3A_7 : vector<1920xf32> to vector<1920x1xf32>
    %sub3A = vector.broadcast %broadcast_in_dim3A : vector<1920x1xf32> to vector<1920x16xf32>
    %sub3A_8 = arith.subf %dot_general3A_6, %sub3A : vector<1920x16xf32>
    %exp3A = math.exp %sub3A_8 : vector<1920x16xf32>
    %reduce_sum3A = arith.constant dense<0.000000e+00> : vector<1920xf32>
    %reduce_sum3A_9 = vector.multi_reduction <add>, %exp3A, %reduce_sum3A [1] : vector<1920x16xf32> to vector<1920xf32>
    %broadcast_in_dim3A_10 = vector.shape_cast %reduce_sum3A_9 : vector<1920xf32> to vector<1920x1xf32>
    %div3A = vector.broadcast %broadcast_in_dim3A_10 : vector<1920x1xf32> to vector<1920x16xf32>
    %div3A_11 = arith.divf %exp3A, %div3A : vector<1920x16xf32>
    %swap3A = arith.constant 0 : index
    %swap3A_12 = arith.constant 0 : index
    %swap3A_13 = vector.load %arg3[%swap3A, %swap3A_12] : memref<1920x16xf32, #tpu.memory_space<vmem>>, vector<1920x16xf32>
    tpu.vector_store %arg3[%swap3A, %swap3A_12], %div3A_11 {strides = array<i32>} : memref<1920x16xf32, #tpu.memory_space<vmem>>, vector<1920x16xf32>,
    return
  }
  func.func @transform_0(%arg0: i32) -> (i32, i32) {
    %c0_i32 = arith.constant 0 : i32
    %c0_i32_0 = arith.constant 0 : i32
    return %arg0, %c0_i32 : i32, i32
  }
  func.func @transform_1(%arg0: i32) -> (i32, i32) {
    %c0_i32 = arith.constant 0 : i32
    %c0_i32_0 = arith.constant 0 : i32
    %c0_i32_1 = arith.constant 0 : i32
    return %c0_i32, %c0_i32_0 : i32, i32
  }
  func.func @transform_2(%arg0: i32) -> (i32, i32) {
    %c0_i32 = arith.constant 0 : i32
    %c0_i32_0 = arith.constant 0 : i32
    return %arg0, %c0_i32 : i32, i32
  }
}

</mosaic_0001>

<sc_bundles>
// kernel: kernel.4.cloned.1.call-start
scs
__scs_entry_jumppad:
0x0: {  	(pc) =	sbr.rel $0x88, $3  }
0x1: {  	(tag) =	ssettag $0x0;
	lr =	simm.s32 $0x1  }
0x2: {  	[smem:$0x3F9F] =	sst lr;
	_ =	strace $0xD0000000  }
0x3: {  	_ = 	snop  }
0x4: {  	_ = 	snop  }
0x5: {  	_ = 	snop  }
0x6: {  	_ = 	snop  }
0x7: {  	_ = 	snop  }
__scs_overlays_trampoline_lowered:
0x8: {  	[smem:$0x3FAE] =	sst s0  }
0x9: {  	[smem:$0x3FAF] =	sst s1  }
0xa: {  	[smem:$0x3FB0] =	sst s2  }
0xb: {  	[smem:$0x3FB1] =	sst s3  }
0xc: {  	[smem:$0x3FB2] =	sst s4  }
0xd: {  	[smem:$0x3FB3] =	sst s5  }
0xe: {  	[smem:$0x3FB4] =	sst s6  }
0xf: {  	[smem:$0x3FB5] =	sst s7  }
0x10: {  	[smem:$0x3FB6] =	sst s8  }
0x11: {  	[smem:$0x3FB7] =	sst s9;
	s0 =	simm.s32 @!p0 $0x0  }
0x12: {  	s1 =	sld [smem:$0x3F9D];
	s0 =	simm.s32 @p0 $0x1  }
0x13: {  	[smem:$0x3FB8] =	sst s0;
	s0 =	simm.s32 @!p1 $0x0  }
0x14: {  	s2 =	sld [smem:$0x3F9C];
	s0 =	simm.s32 @p1 $0x1  }
0x15: {  	[smem:$0x3FB9] =	sst s0;
	s0 =	simm.s32 @!p2 $0x0  }
0x16: {  	s3 =	sld [smem:$0x3FDB];
	s0 =	simm.s32 @p2 $0x1  }
0x17: {  	s4 =	simm.s32 $0x1BF5;
	[smem:$0x3FBB] =	sst s0  }
0x18: {  	s0 =	sld [smem:$0x3F9E];
	_ =	swait.ge [sflag:s4], $0x0  }
0x19: {  	s7 =	sld [smem:$0x3F9F]  }
0x1a: {  	s8 =	sadd.s32 $0xFFFFE003, lr  }
0x1b: {  	s9 =	sadd.s32 $0xFFFFFEF7, lr;
	s5 =	simm.s32 $0xFFFFFFFF;
	p2 =	slt.u32 s8, $0xFFFFF086  }
0x1c: {  	p1 =	slt.u32 s9, $0xF7A;
	s5 =	simm.s32 @!p2 $0x0  }
0x1d: {  	s5 =	simm.s32 @p1 $0x1;
	p0 =	seq.s32 s7, s2  }
0x1e: {  	s7 =	smul.u32 @!p0 $0xF7A, s2;
	p2 =	seq.s32 @!p0 s5, $0x0  }
0x1f: {  	s9 =	smul.u32 $0xF7A, s1;
	s8 =	simm.s32 @!p0 $0x1BF5;
	p2 =	por !p2, p0  }
0x20: {  	[sflag:s8] =	ssyncset.s32 @!p0 $0xFFFFF086;
	s6 =	sadd.s32 @!p0 s3, s7;
	s7 =	simm.s32 @!p0 $0x108  }
0x21: {  	s3 =	sadd.s32 s3, s9;
	s6 =	sadd.s32 @!p0 $0x88, s6;
	s7 =	simm.s32 @p2 $0x1082  }
0x22: {  	[simem:s7], [sflag:s8] =	dma.local @!p0 [hbm:s6], $0xF7A  }
0x23: {  	s9 =	sor.u32 $0xD0000000, s2;
	s6 =	simm.s32 $0x108;
	_ =	swait.ge @!p0 [sflag:s8], $0x0  }
0x24: {  	s3 =	sadd.s32 $0x88, s3;
	s6 =	simm.s32 @!p1 $0x1082;
	[sflag:s4] =	ssyncset.s32 $0xFFFFF086  }
0x25: {  	[simem:s6], [sflag:s4] =	dma.local [hbm:s3], $0xF7A  }
0x26: {  	[smem:$0x3F9F] =	sst s1;
	(tag) =	ssettag s2;
	_ =	strace s9  }
0x27: {  	s1 =	sld [smem:$0x3FAF]  }
0x28: {  	s2 =	sld [smem:$0x3FB0]  }
0x29: {  	s4 =	sld [smem:$0x3FB2]  }
0x2a: {  	p0 =	seq.s32 s5, $0x0;
	s5 =	sld [smem:$0x3FB3]  }
0x2b: {  	s6 =	sld [smem:$0x3FB4]  }
0x2c: {  	s7 =	sld [smem:$0x3FB5]  }
0x2d: {  	s3 =	simm.s32 $0x108;
	s8 =	sld [smem:$0x3FB6]  }
0x2e: {  	s3 =	simm.s32 @!p0 $0x1082;
	s9 =	sld [smem:$0x3FB7]  }
0x2f: {  	lr =	sadd.s32 s0, s3;
	s0 =	sld [smem:$0x3FAE]  }
0x30: {  	s3 =	sld [smem:$0x3FB1]  }
0x31: {  	[smem:$0x3FBA] =	sst s10  }
0x32: {  	s10 =	sld [smem:$0x3FB8];
	_ =	sdelay $0x3  }
0x33: {  	p0 =	seq.s32 s10, $0x1;
	s10 =	sld [smem:$0x3FBA];
	_ =	sdelay $0x3  }
0x34: {  	[smem:$0x3FBA] =	sst s10  }
0x35: {  	s10 =	sld [smem:$0x3FB9];
	_ =	sdelay $0x3  }
0x36: {  	p1 =	seq.s32 s10, $0x1;
	s10 =	sld [smem:$0x3FBA];
	_ =	sdelay $0x3  }
0x37: {  	[smem:$0x3FBA] =	sst s10  }
0x38: {  	s10 =	sld [smem:$0x3FBB]  }
0x39: {  	_ = 	snop;
	(pc) =	sbr.ind lr, $3  }
0x3a: {  	_ = 	snop  }
0x3b: {  	_ = 	snop  }
0x3c: {  	p2 =	seq.s32 s10, $0x1;
	s10 =	sld [smem:$0x3FBA]  }
0x3d: {  	_ =	shalt  }
0x3e: {  	_ =	shalt  }
0x3f: {  	_ =	shalt  }
0x40: {  	_ =	shalt  }
0x41: {  	_ =	shalt  }
0x42: {  	_ =	shalt  }
0x43: {  	_ =	shalt  }
0x44: {  	_ =	shalt  }
0x45: {  	_ =	shalt  }
0x46: {  	_ =	shalt  }
0x47: {  	_ =	shalt  }
0x48: {  	_ =	shalt  }
0x49: {  	_ =	shalt  }
0x4a: {  	_ =	shalt  }
0x4b: {  	_ =	shalt  }
0x4c: {  	_ =	shalt  }
0x4d: {  	_ =	shalt  }
0x4e: {  	_ =	shalt  }
0x4f: {  	_ =	shalt  }
0x50: {  	_ =	shalt  }
0x51: {  	_ =	shalt  }
0x52: {  	_ =	shalt  }
0x53: {  	_ =	shalt  }
0x54: {  	_ =	shalt  }
0x55: {  	_ =	shalt  }
0x56: {  	_ =	shalt  }
0x57: {  	_ =	shalt  }
0x58: {  	_ =	shalt  }
0x59: {  	_ =	shalt  }
0x5a: {  	_ =	shalt  }
0x5b: {  	_ =	shalt  }
0x5c: {  	_ =	shalt  }
0x5d: {  	_ =	shalt  }
0x5e: {  	_ =	shalt  }
0x5f: {  	_ =	shalt  }
0x60: {  	_ =	shalt  }
0x61: {  	_ =	shalt  }
0x62: {  	_ =	shalt  }
0x63: {  	_ =	shalt  }
0x64: {  	_ =	shalt  }
0x65: {  	_ =	shalt  }
0x66: {  	_ =	shalt  }
0x67: {  	_ =	shalt  }
0x68: {  	_ =	shalt  }
0x69: {  	_ =	shalt  }
0x6a: {  	_ =	shalt  }
0x6b: {  	_ =	shalt  }
0x6c: {  	_ =	shalt  }
0x6d: {  	_ =	shalt  }
0x6e: {  	_ =	shalt  }
0x6f: {  	_ =	shalt  }
0x70: {  	_ =	shalt  }
0x71: {  	_ =	shalt  }
0x72: {  	_ =	shalt  }
0x73: {  	_ =	shalt  }
0x74: {  	_ =	shalt  }
0x75: {  	_ =	shalt  }
0x76: {  	_ =	shalt  }
0x77: {  	_ =	shalt  }
0x78: {  	_ =	shalt  }
0x79: {  	_ =	shalt  }
0x7a: {  	_ =	shalt  }
0x7b: {  	_ =	shalt  }
0x7c: {  	_ =	shalt  }
0x7d: {  	_ =	shalt  }
0x7e: {  	_ =	shalt  }
0x7f: {  	_ =	shalt  }
0x80: {  	_ =	shalt  }
0x81: {  	_ =	shalt  }
0x82: {  	_ =	shalt  }
0x83: {  	_ =	shalt  }
0x84: {  	_ =	shalt  }
0x85: {  	_ =	shalt  }
0x86: {  	_ =	shalt  }
0x87: {  	_ =	shalt  }
.Lfunc_end0:
.L_simem_size_0:
called_computation_lowered:
.L_overlay_start_0:
0x88: {  	s2 =	sld [smem:$0x3FD9]  }
0x89: {  	s3 =	sld [smem:$0x3FFE];
	_ =	sdelay $0x1  }
0x8a: {  	s1 =	srdreg.scid  }
0x8b: {  	s0 =	sand.u32 $0x1, s1  }
0x8c: {  	s17 =	sshll.u32 s0, $0xA;
	s2 =	sadd.s32 s3, s2  }
0x8d: {  	s2 =	sadd.s32 s2, s17  }
0x8e: {  	[smem:$0x3FC6] =	sst s2  }
0x8f: {  	_ = 	snop  }
0x90: {  	s2 =	sld [smem:$0x3FC9]  }
0x91: {  	s18 =	sld [smem:$0x3FC8];
	(tm) =	ssettm $0x1  }
0x92: {  	s4 =	sld [smem:$0x3FFB];
	_ =	sdelay $0x3  }
0x93: {  	_ =	strace s4  }
0x94: {  	s4 =	sld [smem:$0x3FFC];
	_ =	sdelay $0x3  }
0x95: {  	_ =	strace s4  }
0x96: {  	s4 =	sld [smem:$0x3FFD];
	_ =	sdelay $0x3  }
0x97: {  	_ =	strace s4  }
0x98: {  	_ =	strace $0x8FFFFFFF  }
0x99: {  	s19 =	sld [smem:$0x3FDB];
	_ =	sdelay $0x1  }
0x9a: {  	s5 =	simm.s32 $_scs_section_size  }
0x9b: {  	s6 =	simm.s32 $_size__tile_overlayer_lowered;
	s7 =	simm.s32 $_tile_overlayer_lowered  }
0x9c: {  	s22 =	simm.s32 $0x1BFF;
	s21 =	sshll.u32 s7, $0x1;
	s4 =	sadd.s32 s5, s19  }
0x9d: {  	s8 =	simm.s32 $0x0;
	s20 =	sshll.u32 s6, $0x1;
	s6 =	sadd.s32 s21, s4  }
0x9e: {  	[timem:s8], [sflag:s22] =	dma.local [hbm:s6], s20  }
0x9f: {  	_ =	swait.ge [sflag:s22], s20  }
0xa0: {  	s5 =	ssub.s32 $0x0, s20;
	[sflag:s22] =	ssyncset.done $0x0  }
0xa1: {  	[sflag:s22] =	ssyncadd.s32 s5;
	_ =	sdelay $0x1  }
0xa2: {  	s23 =	simm.s32 $0x1B8B  }
0xa3: {  	_ =	swait.ge [sflag:s23], $0x1  }
0xa4: {  	[sflag:s23] =	ssyncset.done $0x0  }
0xa5: {  	s25 =	simm.s32 $0x1B8E;
	s24 =	sld [smem:$0x3FFE];
	[sflag:s23] =	ssyncadd.s32 $0xFFFFFFFF  }
0xa6: {  	s26 =	simm.s32 $execute0_lowered;
	[smem:$0x3FD2] =	sst s25  }
0xa7: {  	s6 =	sshll.u32 s26, $0x1;
	_ =	strace $0x80000046;
	[dreg:$0x1] =	wrdreg $0xFFFFFFFF  }
0xa8: {  	s28 =	simm.s32 $_size_execute0_lowered;
	s4 =	sadd.s32 s4, s6;
	[dreg:$0x0] =	wrdreg $0x0  }
0xa9: {  	s6 =	sshll.u32 s28, $0x1;
	[dreg:$0x2] =	wrdreg s4  }
0xaa: {  	[dreg:$0x3] =	wrdreg s6  }
0xab: {  	[dreg:$0x4] =	wrdreg $0xC0  }
0xac: {  	_ =	task [dreg:s8], $0x5FFFF  }
0xad: {  	[dreg:$0x1] =	wrdreg $0xFFFFFFFF  }
0xae: {  	[dreg:$0x0] =	wrdreg $0x60  }
0xaf: {  	[dreg:$0x2] =	wrdreg s2  }
0xb0: {  	[dreg:$0x3] =	wrdreg s18  }
0xb1: {  	[dreg:$0x4] =	wrdreg s24  }
0xb2: {  	[dreg:$0x5] =	wrdreg $0x9  }
0xb3: {  	_ =	task.clear_ibuf [dreg:s8], $0x6FFFF;
	_ =	strace $0x90000046  }
0xb4: {  	s29 =	simm.s32 $0x9;
	_ =	strace $0x80000048  }
0xb5: {  	_ =	swait.ge [sflag:s29], $0x1  }
0xb6: {  	[sflag:s29] =	ssyncadd.s32 $0xFFFFFFFF  }
0xb7: {  	_ =	strace $0x90000048  }
0xb8: {  	_ =	sfence  }
0xb9: {  	s30 =	sld [smem:$0x0];
	_ =	sdelay $0x2  }
0xba: {  	s31 =	sshll.u32 s1, $0xD;
	s1 =	sshrl.u32 s1, $0x2  }
0xbb: {  	s3 =	sand.u32 $0x4000, s31;
	s1 =	sadd.s32 s1, s30  }
0xbc: {  	s0 =	sor.u32 s3, s0;
	s1 =	sshll.u32 s1, $0x11  }
0xbd: {  	s0 =	sor.u32 s1, s0  }
0xbe: {  	s0 =	sadd.s32 $0x8F2B, s0  }
0xbf: {  	[sflag:s0] =	ssyncadd.remote.s32 $0x1  }
0xc0: {  	_ =	sfence.sel $0xFFFF  }
0xc1: {  	[dreg:$0x0] =	wrdreg $0xFFFFFFFF;
	(pc) =	sbr.abs _section_cstart, $3  }
0xc2: {  	[dreg:$0x1] =	wrdreg $0xFFFFFFFF  }
0xc3: {  	_ =	task.clear_ibuf [dreg:s8], $0x2FFFF;
	_ =	strace $0x9FFFFFFF  }
0xc4: {  	(tm) =	ssettm $0x7FFFFFFF  }
0xc5: {  	_ =	shalt  }
tec
execute0_lowered:
.L_overlay_start_1:
0x0: {  	(tag) =	ssettag $0x1  }
0x1: {  	s4 =	rddreg [dreg:$0x0]  }
0x2: {  	s1 =	rddreg [dreg:$0x1]  }
0x3: {  	s5 =	rddreg [dreg:$0x2]  }
0x4: {  	s0 =	rddreg [dreg:$0x3];
	s6 =	srdreg.scid  }
0x5: {  	s3 =	simm.s32 $0x0;
	s2 =	stileid.u32;
	v0 =	vlaneseq.u32;
	s10 =	simm.s32 $0x9000  }
0x6: {  	s11 =	simm.s32 $0x8000;
	s12 =	simm.s32 $0x0;
	s6 =	sand.u32 $0x1, s6;
	v0 =	vmul.u32 $0x80, v0  }
0x7: {  	[smem:$0x7FF] =	sst s3;
	s7 =	sshll.u32 s2, $0x5;
	s8 =	sshll.u32 s6, $0x4  }
0x8: {  	_ =	strace $0x80000047;
	s6 =	ssub.s32 $0x2, s6;
	s7 =	sor.u32 s8, s7;
	v1 =	vor.u32 $0x1, v0;
	v2 =	vor.u32 $0x2, v0;
	v3 =	vor.u32 $0x3, v0  }
0x9: {  	s9 =	sshrl.u32 s6, $0x1;
	v4 =	vor.u32 $0x4, v0;
	v5 =	vor.u32 $0x5, v0;
	v6 =	vor.u32 $0x6, v0;
	s8 =	sshll.u32 s7, $0x4;
	s7 =	sshll.u32 s7, $0x7  }
0xa: {  	v7 =	vor.u32 $0x7, v0;
	v8 =	vor.u32 $0x8, v0;
	v9 =	vor.u32 $0x9, v0;
	s6 =	ssub.s32 s6, s9;
	s9 =	simm.s32 $0x8800;
	s5 =	sadd.s32 s8, s5  }
0xb: {  	v10 =	vor.u32 $0xA, v0;
	v11 =	vor.u32 $0xB, v0;
	v12 =	vor.u32 $0xC, v0;
	s4 =	sadd.s32 s7, s4;
	s6 =	smax.u32 s6, $0x1;
	s7 =	simm.s32 $0x4000  }
0xc: {  	v13 =	vor.u32 $0xD, v0;
	v14 =	vor.u32 $0xE, v0;
	v15 =	vor.u32 $0xF, v0;
	s8 =	simm.s32 $0x1;
	s4 =	sadd.s32 $0xF0000, s4;
	s5 =	sadd.s32 $0x600, s5  }
.LBB2_1:
0xd: {  	[tilespmem:s7], [sflag:$0x1] =	stream.linear.gather [hbm4b:s1+s3], $0x4000, $0x38;
	[tilespmem:$0x9800] =	vst v63  }
0xe: {  	_ =	swait.ge [sflag:s8], $0x4000  }
0xf: {  	[sflag:s8] =	ssyncset.done $0x0  }
0x10: {  	[sflag:s8] =	ssyncadd.s32 $0xFFFFC000  }
0x11: {  	[tilespmem:s3], [sflag:$0x1] =	stream.linear.gather [hbm4b:s4+s3], $0x4000, $0x38;
	[tilespmem:$0x9800] =	vst v63  }
0x12: {  	_ =	swait.ge [sflag:s8], $0x4000  }
0x13: {  	[sflag:s8] =	ssyncset.done $0x0  }
0x14: {  	s13 =	simm.s32 $0x0;
	[sflag:s8] =	ssyncadd.s32 $0xFFFFC000  }
.LBB2_2:
0x15: {  	s15 =	sshll.u32 s13, $0xA  }
0x16: {  	s14 =	sshll.u32 s13, $0x7;
	s17 =	simm.s32 $0x0;
	s15 =	sand.u32 $0x2000, s15  }
0x17: {  	s16 =	sand.u32 $0x380, s14;
	s18 =	sand.u32 $0x70, s17;
	s31 =	sand.u32 $0x1C00, s17  }
0x18: {  	s15 =	sor.u32 s16, s15;
	s16 =	sor.u32 s18, s31  }
0x19: {  	v16 =	vld [tilespmem:s16+$0x6380]  }
0x1a: {  	v18 =	vld [tilespmem:s16+$0x4000]  }
0x1b: {  	s19 =	sadd.s32 s31, s15;
	v19 =	vld [tilespmem:s16+$0x4080]  }
0x1c: {  	s17 =	sor.u32 s17, s17;
	v20 =	vld [tilespmem:s16+$0x4100];
	s18 =	sadd.s32 s18, s19  }
0x1d: {  	s17 =	sor.u32 $0x380, s17;
	v17 =	vld [tilespmem:s18+$0x0]  }
0x1e: {  	v30 =	vld [tilespmem:s17+$0x4000]  }
0x1f: {  	v31 =	vld [tilespmem:s16+$0x6000]  }
0x20: {  	v21 =	vld [tilespmem:s16+$0x4180]  }
0x21: {  	v22 =	vld [tilespmem:s16+$0x4200]  }
0x22: {  	v25 =	vimm.f32 $0.0e+00;
	v23 =	vld [tilespmem:s16+$0x4280];
	v16 =	vmul.f32 v16, v17  }
0x23: {  	v32 =	vimm.f32 $0.0e+00;
	v28 =	vld [tilespmem:s16+$0x4300];
	v18 =	vmul.f32 v18, v17;
	v19 =	vmul.f32 v19, v17  }
0x24: {  	v39 =	vmul.f32 v30, v17;
	v38 =	vmul.f32 v31, v17;
	v31 =	vimm.f32 $0.0e+00  }
0x25: {  	v30 =	vimm.f32 $0.0e+00;
	v16 =	vadd.f32 v16, v25;
	v29 =	vadd.f32 v18, v25  }
0x26: {  	v37 =	vld [tilespmem:s16+$0x6080];
	v18 =	vmul.f32 v20, v17;
	v20 =	vmul.f32 v21, v17;
	v27 =	vadd.f32 v19, v25  }
0x27: {  	v35 =	vld [tilespmem:s16+$0x6100];
	v19 =	vmul.f32 v22, v17;
	v21 =	vmul.f32 v23, v17;
	v22 =	vimm.f32 $0.0e+00  }
0x28: {  	v34 =	vld [tilespmem:s16+$0x6180];
	v26 =	vadd.f32 v18, v25;
	v24 =	vadd.f32 v20, v25;
	v18 =	vmul.f32 v28, v17  }
0x29: {  	v33 =	vld [tilespmem:s16+$0x6200];
	s17 =	simm.s32 $0x80;
	s18 =	simm.s32 $0x10;
	v23 =	vadd.f32 v19, v25;
	v21 =	vadd.f32 v21, v25;
	v28 =	vimm.f32 $0.0e+00  }
0x2a: {  	v36 =	vld [tilespmem:s16+$0x6280];
	s21 =	sand.u32 $0x1C00, s17;
	s19 =	simm.s32 $0x20;
	s20 =	sand.u32 $0x70, s18;
	v19 =	vimm.f32 $0.0e+00;
	v20 =	vadd.f32 v18, v25;
	v18 =	vimm.f32 $0.0e+00  }
.LBB2_3:
0x2b: {  	p0 =	sne.s32 s19, $0x3F0;
	s22 =	sadd.s32 s21, s15;
	v25 =	vadd.f32 v39, v25;
	v37 =	vmul.f32 v37, v17;
	v39 =	vld [tilespmem:s16+$0x6300];
	s16 =	sor.u32 s20, s21  }
0x2c: {  	s21 =	sor.u32 s17, s18;
	s18 =	smov.u32 s19;
	s20 =	sadd.s32 s20, s22;
	v40 =	vld [tilespmem:s16+$0x6380];
	v31 =	vadd.f32 v38, v31;
	v35 =	vmul.f32 v35, v17  }
0x2d: {  	v38 =	vld [tilespmem:s20+$0x0];
	s20 =	sor.u32 $0x380, s21;
	v32 =	vadd.f32 v37, v32;
	v34 =	vmul.f32 v34, v17  }
0x2e: {  	v37 =	vld [tilespmem:s16+$0x4000];
	v30 =	vadd.f32 v35, v30;
	v33 =	vmul.f32 v33, v17  }
0x2f: {  	v35 =	vld [tilespmem:s16+$0x4080];
	v28 =	vadd.f32 v34, v28;
	v34 =	vmul.f32 v36, v17  }
0x30: {  	v36 =	vld [tilespmem:s16+$0x4100];
	v22 =	vadd.f32 v33, v22;
	v41 =	vmul.f32 v39, v17  }
0x31: {  	v33 =	vld [tilespmem:s16+$0x4180];
	v19 =	vadd.f32 v34, v19  }
0x32: {  	v34 =	vld [tilespmem:s16+$0x4200];
	v39 =	vmul.f32 v40, v38;
	v18 =	vadd.f32 v41, v18;
	v17 =	vmov v38  }
0x33: {  	v37 =	vmul.f32 v37, v17;
	v38 =	vld [tilespmem:s16+$0x4280]  }
0x34: {  	v35 =	vmul.f32 v35, v17;
	v40 =	vld [tilespmem:s16+$0x4300];
	v16 =	vadd.f32 v39, v16  }
0x35: {  	v29 =	vadd.f32 v37, v29;
	v36 =	vmul.f32 v36, v17;
	v39 =	vld [tilespmem:s20+$0x4000]  }
0x36: {  	v27 =	vadd.f32 v35, v27;
	v33 =	vmul.f32 v33, v17;
	v41 =	vld [tilespmem:s16+$0x6000]  }
.Ltmp0:
0x37: {  	v26 =	vadd.f32 v36, v26;
	v34 =	vmul.f32 v34, v17;
	v37 =	vld [tilespmem:s16+$0x6080];
	(pc) =	sbr.rel @p0 .LBB2_3-.Ltmp0, $4  }
0x38: {  	v24 =	vadd.f32 v33, v24;
	v33 =	vmul.f32 v38, v17;
	v35 =	vld [tilespmem:s16+$0x6100]  }
0x39: {  	v23 =	vadd.f32 v34, v23;
	v36 =	vmul.f32 v40, v17;
	v34 =	vld [tilespmem:s16+$0x6180]  }
0x3a: {  	s17 =	sadd.s32 $0x80, s17;
	v21 =	vadd.f32 v33, v21;
	v39 =	vmul.f32 v39, v17;
	v33 =	vld [tilespmem:s16+$0x6200]  }
0x3b: {  	s19 =	sadd.s32 $0x10, s19;
	s21 =	sand.u32 $0x1C00, s17;
	s20 =	sand.u32 $0x70, s18;
	v20 =	vadd.f32 v36, v20;
	v38 =	vmul.f32 v41, v17;
	v36 =	vld [tilespmem:s16+$0x6280]  }
0x3c: {  	s19 =	sor.u32 s20, s21;
	v40 =	vld [tilespmem:s16+$0x6300]  }
0x3d: {  	v41 =	vld [tilespmem:s19+$0x6380]  }
0x3e: {  	v43 =	vld [tilespmem:s19+$0x4000]  }
0x3f: {  	v44 =	vld [tilespmem:s19+$0x4080]  }
0x40: {  	v45 =	vld [tilespmem:s19+$0x4100]  }
0x41: {  	v46 =	vld [tilespmem:s19+$0x4180]  }
0x42: {  	s15 =	sadd.s32 s21, s15;
	v47 =	vld [tilespmem:s19+$0x4200]  }
0x43: {  	s15 =	sadd.s32 s20, s15;
	v48 =	vld [tilespmem:s19+$0x4280]  }
0x44: {  	v42 =	vld [tilespmem:s15+$0x0]  }
0x45: {  	v49 =	vld [tilespmem:s19+$0x4300]  }
0x46: {  	v51 =	vld [tilespmem:s19+$0x6000]  }
0x47: {  	v52 =	vld [tilespmem:s19+$0x6080]  }
0x48: {  	v37 =	vmul.f32 v37, v17;
	v53 =	vld [tilespmem:s19+$0x6100]  }
0x49: {  	v54 =	vld [tilespmem:s19+$0x6180];
	v31 =	vadd.f32 v38, v31;
	v43 =	vmul.f32 v43, v42  }
0x4a: {  	s31 =	sor.u32 s17, s18;
	v55 =	vld [tilespmem:s19+$0x6280];
	v59 =	vmul.f32 v35, v17;
	v32 =	vadd.f32 v37, v32;
	v62 =	vmul.f32 v44, v42  }
0x4b: {  	v57 =	vld [tilespmem:s19+$0x6300];
	s15 =	sor.u32 $0x380, s31;
	v61 =	vmul.f32 v34, v17;
	v63 =	vmul.f32 v45, v42;
	v29 =	vadd.f32 v43, v29  }
0x4c: {  	v50 =	vld [tilespmem:s15+$0x4000];
	v35 =	vmul.f32 v33, v17;
	v56 =	vmul.f32 v46, v42;
	v27 =	vadd.f32 v62, v27  }
0x4d: {  	v38 =	vmul.f32 v36, v17;
	v44 =	vld [tilespmem:s19+$0x6200];
	v58 =	vmul.f32 v47, v42;
	v26 =	vadd.f32 v63, v26;
	[tilespmem:$0x8800] =	vst v29  }
0x4e: {  	v17 =	vmul.f32 v40, v17;
	v60 =	vmul.f32 v48, v42;
	v24 =	vadd.f32 v56, v24;
	[tilespmem:$0x8880] =	vst v27  }
0x4f: {  	v19 =	vadd.f32 v38, v19;
	v37 =	vmul.f32 v52, v42;
	v23 =	vadd.f32 v58, v23;
	[tilespmem:$0x8900] =	vst v26  }
0x50: {  	v48 =	vmul.f32 v54, v42;
	v52 =	vmul.f32 v55, v42;
	v21 =	vadd.f32 v60, v21;
	[tilespmem:$0x8980] =	vst v24  }
0x51: {  	v17 =	vadd.f32 v17, v18;
	v54 =	vmul.f32 v57, v42;
	v47 =	vadd.f32 v37, v32;
	[tilespmem:$0x8A00] =	vst v23  }
0x52: {  	v55 =	vmul.f32 v41, v42;
	v19 =	vadd.f32 v52, v19;
	[tilespmem:$0x8A80] =	vst v21  }
0x53: {  	v62 =	vmul.f32 v49, v42;
	v17 =	vadd.f32 v54, v17;
	[tilespmem:$0x8C80] =	vst v47  }
0x54: {  	v25 =	vadd.f32 v39, v25;
	v63 =	vmul.f32 v50, v42;
	v16 =	vadd.f32 v55, v16;
	[tilespmem:$0x8E80] =	vst v19  }
0x55: {  	v34 =	vmul.f32 v51, v42;
	v20 =	vadd.f32 v62, v20;
	[tilespmem:$0x8F00] =	vst v17  }
0x56: {  	v43 =	vmul.f32 v53, v42;
	v27 =	vadd.f32 v59, v30;
	v24 =	vadd.f32 v63, v25;
	[tilespmem:$0x8F80] =	vst v16  }
0x57: {  	v26 =	vadd.f32 v61, v28;
	v23 =	vadd.f32 v34, v31;
	[tilespmem:$0x8B00] =	vst v20  }
0x58: {  	v46 =	vadd.f32 v35, v22;
	v50 =	vmul.f32 v44, v42;
	[tilespmem:$0x8B80] =	vst v24;
	v49 =	vadd.f32 v43, v27  }
0x59: {  	[tilespmem:$0x8C00] =	vst v23;
	v51 =	vadd.f32 v48, v26  }
0x5a: {  	v53 =	vadd.f32 v50, v46;
	[tilespmem:$0x8D00] =	vst v49  }
0x5b: {  	[tilespmem:$0x8D80] =	vst v51  }
0x5c: {  	[tilespmem:$0x8E00] =	vst v53  }
0x5d: {  	v16 =	vld.idx.msk [tilespmem:v0+s9+$0x0], $0xffff  }
0x5e: {  	v17 =	vld.idx.msk [tilespmem:v1+s9+$0x0], $0xffff;
	_ =	sdelay $0x1  }
0x5f: {  	v18 =	vld.idx.msk [tilespmem:v2+s9+$0x0], $0xffff;
	_ =	sdelay $0x1  }
0x60: {  	v19 =	vld.idx.msk [tilespmem:v3+s9+$0x0], $0xffff  }
0x61: {  	v16 =	vadd.f32 v17, v16  }
0x62: {  	v17 =	vld.idx.msk [tilespmem:v4+s9+$0x0], $0xffff  }
0x63: {  	v16 =	vadd.f32 v18, v16  }
0x64: {  	v56 =	vld.idx.msk [tilespmem:v5+s9+$0x0], $0xffff  }
0x65: {  	v16 =	vadd.f32 v19, v16  }
0x66: {  	v57 =	vld.idx.msk [tilespmem:v6+s9+$0x0], $0xffff  }
0x67: {  	v16 =	vadd.f32 v17, v16  }
0x68: {  	v17 =	vld.idx.msk [tilespmem:v7+s9+$0x0], $0xffff  }
0x69: {  	v16 =	vadd.f32 v56, v16  }
0x6a: {  	v58 =	vld.idx.msk [tilespmem:v8+s9+$0x0], $0xffff  }
0x6b: {  	v16 =	vadd.f32 v57, v16  }
0x6c: {  	v59 =	vld.idx.msk [tilespmem:v9+s9+$0x0], $0xffff  }
0x6d: {  	v16 =	vadd.f32 v17, v16  }
0x6e: {  	v17 =	vld.idx.msk [tilespmem:v10+s9+$0x0], $0xffff  }
0x6f: {  	v16 =	vadd.f32 v58, v16  }
0x70: {  	v60 =	vld.idx.msk [tilespmem:v11+s9+$0x0], $0xffff  }
0x71: {  	v16 =	vadd.f32 v59, v16  }
0x72: {  	v61 =	vld.idx.msk [tilespmem:v12+s9+$0x0], $0xffff  }
0x73: {  	v16 =	vadd.f32 v17, v16  }
0x74: {  	v17 =	vld.idx.msk [tilespmem:v13+s9+$0x0], $0xffff  }
0x75: {  	v16 =	vadd.f32 v60, v16  }
0x76: {  	v62 =	vld.idx.msk [tilespmem:v14+s9+$0x0], $0xffff  }
0x77: {  	v16 =	vadd.f32 v61, v16  }
0x78: {  	v63 =	vld.idx.msk [tilespmem:v15+s9+$0x0], $0xffff  }
0x79: {  	v16 =	vadd.f32 v17, v16;
	_ =	sdelay $0x1  }
0x7a: {  	v16 =	vadd.f32 v62, v16;
	_ =	sdelay $0x1  }
0x7b: {  	v16 =	vadd.f32 v63, v16;
	_ =	sdelay $0x1  }
0x7c: {  	v16 =	vmul.f32 $1.442695020e+00, v16;
	_ =	sdelay $0x1  }
0x7d: {  	(erf) = vpow2.f32 v16;
	_ =	sdelay $0x3  }
0x7e: {  	s13 =	sadd.s32 $0x1, s13  }
0x7f: {  	p0 =	sne.s32 s13, $0x10  }
.Ltmp1:
0x80: {  	_ = 	snop;
	(pc) =	sbr.rel @p0 .LBB2_2-.Ltmp1, $3  }
0x81: {  	_ =	sdelay $0x1  }
0x82: {  	s14 =	sand.u32 $0x3FFFFF80, s14;
	v16 =	vpop (erf)  }
0x83: {  	[tilespmem:s14+$0x9000] =	vst v16  }
0x84: {  	_ =	sdelay $0x3  }
0x85: {  	v16 =	vld.idx.msk [tilespmem:v0+s10+$0x0], $0xffff  }
0x86: {  	v17 =	vld.idx.msk [tilespmem:v1+s10+$0x0], $0xffff;
	_ =	sdelay $0x1  }
0x87: {  	v18 =	vld.idx.msk [tilespmem:v2+s10+$0x0], $0xffff;
	_ =	sdelay $0x1  }
0x88: {  	v19 =	vld.idx.msk [tilespmem:v3+s10+$0x0], $0xffff  }
0x89: {  	v20 =	vadd.f32 v17, v16  }
0x8a: {  	v21 =	vld.idx.msk [tilespmem:v4+s10+$0x0], $0xffff  }
0x8b: {  	v20 =	vadd.f32 v18, v20  }
0x8c: {  	v22 =	vld.idx.msk [tilespmem:v5+s10+$0x0], $0xffff  }
0x8d: {  	v20 =	vadd.f32 v19, v20  }
0x8e: {  	v23 =	vld.idx.msk [tilespmem:v6+s10+$0x0], $0xffff  }
0x8f: {  	v20 =	vadd.f32 v21, v20  }
0x90: {  	v24 =	vld.idx.msk [tilespmem:v7+s10+$0x0], $0xffff  }
0x91: {  	v20 =	vadd.f32 v22, v20  }
0x92: {  	v25 =	vld.idx.msk [tilespmem:v8+s10+$0x0], $0xffff  }
0x93: {  	v20 =	vadd.f32 v23, v20  }
0x94: {  	v26 =	vld.idx.msk [tilespmem:v9+s10+$0x0], $0xffff  }
0x95: {  	v20 =	vadd.f32 v24, v20  }
0x96: {  	v27 =	vld.idx.msk [tilespmem:v10+s10+$0x0], $0xffff  }
0x97: {  	v20 =	vadd.f32 v25, v20  }
0x98: {  	v28 =	vld.idx.msk [tilespmem:v11+s10+$0x0], $0xffff  }
0x99: {  	v20 =	vadd.f32 v26, v20  }
0x9a: {  	v29 =	vld.idx.msk [tilespmem:v12+s10+$0x0], $0xffff  }
0x9b: {  	v20 =	vadd.f32 v27, v20  }
0x9c: {  	v30 =	vld.idx.msk [tilespmem:v13+s10+$0x0], $0xffff  }
0x9d: {  	v20 =	vadd.f32 v28, v20  }
0x9e: {  	v31 =	vld.idx.msk [tilespmem:v14+s10+$0x0], $0xffff  }
0x9f: {  	v20 =	vadd.f32 v29, v20  }
0xa0: {  	v32 =	vld.idx.msk [tilespmem:v15+s10+$0x0], $0xffff  }
0xa1: {  	v20 =	vadd.f32 v30, v20;
	_ =	sdelay $0x1  }
0xa2: {  	v20 =	vadd.f32 v31, v20;
	_ =	sdelay $0x1  }
0xa3: {  	v20 =	vadd.f32 v32, v20;
	_ =	sdelay $0x1  }
0xa4: {  	(erf) = vrcp.f32 v20;
	_ =	sdelay $0x8  }
0xa5: {  	v20 =	vpop (erf)  }
0xa6: {  	v16 =	vmul.f32 v20, v16  }
0xa7: {  	v17 =	vmul.f32 v20, v17  }
0xa8: {  	[tilespmem:v0+s11+$0x0] =	vst.idx.msk $0xffff, v16;
	v16 =	vmul.f32 v20, v18  }
0xa9: {  	[tilespmem:v1+s11+$0x0] =	vst.idx.msk $0xffff, v17;
	v17 =	vmul.f32 v20, v19  }
0xaa: {  	[tilespmem:v2+s11+$0x0] =	vst.idx.msk $0xffff, v16;
	v16 =	vmul.f32 v20, v21  }
0xab: {  	[tilespmem:v3+s11+$0x0] =	vst.idx.msk $0xffff, v17;
	v17 =	vmul.f32 v20, v22  }
0xac: {  	[tilespmem:v4+s11+$0x0] =	vst.idx.msk $0xffff, v16;
	v16 =	vmul.f32 v20, v23  }
0xad: {  	[tilespmem:v5+s11+$0x0] =	vst.idx.msk $0xffff, v17;
	v17 =	vmul.f32 v20, v24  }
0xae: {  	[tilespmem:v6+s11+$0x0] =	vst.idx.msk $0xffff, v16;
	v16 =	vmul.f32 v20, v25  }
0xaf: {  	[tilespmem:v7+s11+$0x0] =	vst.idx.msk $0xffff, v17;
	v17 =	vmul.f32 v20, v26  }
0xb0: {  	[tilespmem:v8+s11+$0x0] =	vst.idx.msk $0xffff, v16;
	v16 =	vmul.f32 v20, v27  }
0xb1: {  	[tilespmem:v9+s11+$0x0] =	vst.idx.msk $0xffff, v17;
	v17 =	vmul.f32 v20, v28  }
0xb2: {  	[tilespmem:v10+s11+$0x0] =	vst.idx.msk $0xffff, v16;
	v16 =	vmul.f32 v20, v29  }
0xb3: {  	[tilespmem:v11+s11+$0x0] =	vst.idx.msk $0xffff, v17;
	v17 =	vmul.f32 v20, v30  }
0xb4: {  	[tilespmem:v12+s11+$0x0] =	vst.idx.msk $0xffff, v16;
	v16 =	vmul.f32 v20, v31  }
0xb5: {  	s12 =	sadd.s32 $0x1, s12;
	[tilespmem:v13+s11+$0x0] =	vst.idx.msk $0xffff, v17;
	v17 =	vmul.f32 v20, v32  }
0xb6: {  	p0 =	sne.s32 s12, s6;
	[tilespmem:v14+s11+$0x0] =	vst.idx.msk $0xffff, v16  }
.Ltmp2:
0xb7: {  	[tilespmem:v15+s11+$0x0] =	vst.idx.msk $0xffff, v17;
	(pc) =	sbr.rel @p0 .LBB2_1-.Ltmp2, $4  }
0xb8: {  	[hbm4b:s5+s3] =	stream.linear.scatter [tilespmem:s11], [sflag:$0x1], $0x800, $0x38;
	[tilespmem:$0x9800] =	vst v63  }
0xb9: {  	_ =	swait.ge [sflag:s8], $0x800  }
0xba: {  	[sflag:s8] =	ssyncset.done $0x0  }
0xbb: {  	[sflag:s8] =	ssyncadd.s32 $0xFFFFF800  }
0xbc: {  	_ =	sfence.sel $0x180000  }
0xbd: {  	[bflag:$0x0] =	sbarrier.arrive $0xFFFF  }
0xbe: {  	p0 =	sne.s32 s2, $0x0;
	_ =	strace $0x90000047  }
0xbf: {  	s0 =	sadd.s32 @!p0 $0x100000, s0;
	[bflag:$0x2] =	sbarrier.arrive $0xFFFF  }
0xc0: {  	[sflag:s0] =	ssyncadd.tile.s32 @!p0 $0x1;
	_ =	shalt  }
.Lfunc_end2:
_tile_overlayer_lowered:
.L_overlay_start_2:
0xc1: {  	(tag) =	ssettag $0x2  }
0xc2: {  	s0 =	rddreg [dreg:$0x0];
	s2 =	stileid.u32  }
0xc3: {  	s1 =	rddreg [dreg:$0x1];
	p0 =	sne.s32 s2, $0x0  }
0xc4: {  	s3 =	rddreg [dreg:$0x2];
	[bflag:$0x3] =	sbarrier.arrive $0xFFFF;
	s2 =	simm.s32 @!p0 $0x1C01  }
0xc5: {  	[timem:s3], [sflag:s2] =	dma.local @!p0 [hbm:s0], s1  }
0xc6: {  	s0 =	simm.s32 @!p0 $0x1  }
0xc7: {  	_ =	swait.ge @!p0 [sflag:s0], s1  }
0xc8: {  	s1 =	ssub.s32 @!p0 $0x0, s1;
	[sflag:s0] =	ssyncset.done @!p0 $0x0  }
0xc9: {  	[sflag:s0] =	ssyncadd.s32 @!p0 s1  }
0xca: {  	[bflag:$0x3] =	sbarrier.arrive $0xFFFF  }
0xcb: {  	_ =	shalt  }

</sc_bundles>
